<compile_context>
chip_gen: v7x
topology: tpu7x:2x2x1
jax: 0.10.2.dev20260603
libtpu: 0.0.44.dev20260713+nightly
codegen_flags: <defaults>
</compile_context>

<pallas_src>
import math

import jax
import jax.numpy as jnp
from jax import lax
from jax.experimental import pallas as pl
from jax.experimental.pallas import tpu as pltpu
from jax.experimental.pallas import tpu_sc as plsc

N = 10000
NP = 10240
E = 320000
EP = 327680
H = 128
NC = 2
NS = 16
CH = 64
SUP = 512
ECH = 128
ESUP = 2048
ROWS_C = NP // NS
ROWS_W = NP // (NC * NS)
EPT = EP // NC // NS
NR = NP // H


def _bcast16(ref, i):
    return plsc.load_gather(ref, [jnp.full((16,), i, jnp.int32)])



def _edge_body(src_hbm, dst_hbm, attr_hbm, m_hbm,
               vn_hbm, ew_hbm, degc_hbm, degs_hbm, csrc_hbm, cdst_hbm,
               cew_hbm, cnt_hbm,
               m_v, srcb, dstb, attrb, vnb, ewb, dbuf, csrcb, cdstb, cewb,
               cntb, esem, degc_sh, degs_sh):
    c = lax.axis_index("c")
    s = lax.axis_index("s")

    pltpu.sync_copy(m_hbm, m_v)

    trash = N + lax.rem(lax.iota(jnp.int32, 16) * 17 + s * 16, NP - N)
    zero16 = jnp.zeros((16,), jnp.float32)

    def _tfill(i, _):
        o = pl.ds(i * 16, 16)
        csrcb[o] = trash
        cdstb[o] = trash
        cewb[o] = zero16
        return 0
    lax.fori_loop(0, (EPT + 64) // 16, _tfill, 0)

    def _z(i, _):
        dbuf[pl.ds(i * 16, 16)] = jnp.zeros((16,), jnp.float32)
        return 0
    lax.fori_loop(0, ROWS_C // 16, _z, 0)
    sl = pl.ds(pl.multiple_of(s * ROWS_C, ROWS_C), ROWS_C)
    pltpu.sync_copy(dbuf, degc_sh.at[sl])
    pltpu.sync_copy(dbuf, degs_sh.at[sl])
    plsc.subcore_barrier()

    ebase = c * (EP // NC) + s * EPT

    def _super(sc, coff):
        sbase = pl.multiple_of(ebase + sc * ESUP, ESUP)
        pltpu.sync_copy(src_hbm.at[pl.ds(sbase, ESUP)], srcb)
        pltpu.sync_copy(dst_hbm.at[pl.ds(pl.multiple_of(sbase // ECH, ESUP // ECH), ESUP // ECH)], dstb)
        pltpu.sync_copy(attr_hbm.at[pl.ds(sbase, ESUP)], attrb)

        def _chunk(ch, coff):
            e0 = ch * ECH
            for g in range(ECH // 16):
                o = pl.ds(e0 + g * 16, 16)
                sidx = srcb[o]
                didx = dstb[ch, pl.ds(g * 16, 16)]
                ms = plsc.load_gather(m_v, [sidx])
                md = plsc.load_gather(m_v, [didx])
                vn16 = ms * md
                ew16 = attrb[o] * vn16
                vnb[o] = vn16
                ewb[o] = ew16
                msk = ew16 != 0.0
                ow = pl.ds(coff, 16)
                plsc.store_compressed(csrcb.at[ow], sidx, mask=msk)
                plsc.store_compressed(cdstb.at[ow], didx, mask=msk)
                plsc.store_compressed(cewb.at[ow], ew16, mask=msk)
                coff = coff + jnp.sum(msk.astype(jnp.int32))
            pltpu.async_copy(ewb.at[pl.ds(e0, ECH)], degc_sh.at[dstb.at[ch]], esem.at[0], add=True)
            pltpu.async_copy(vnb.at[pl.ds(e0, ECH)], degs_sh.at[dstb.at[ch]], esem.at[1], add=True)
            return coff

        coff = lax.fori_loop(0, ESUP // ECH, _chunk, coff)
        pltpu.sync_copy(vnb, vn_hbm.at[pl.ds(sbase, ESUP)])
        pltpu.sync_copy(ewb, ew_hbm.at[pl.ds(sbase, ESUP)])
        pltpu.make_async_copy(ew_hbm.at[pl.ds(sbase, ESUP)], ewb, esem.at[0]).wait()
        pltpu.make_async_copy(vn_hbm.at[pl.ds(sbase, ESUP)], vnb, esem.at[1]).wait()
        return coff

    coff = lax.fori_loop(0, EPT // ESUP, _super, 0)
    cpad = ((coff + CH - 1) // CH) * CH
    cntb[...] = jnp.full((16,), cpad, jnp.int32)
    tbase = pl.multiple_of((c * NS + s) * EPT, EPT)
    pltpu.sync_copy(csrcb.at[pl.ds(0, EPT)], csrc_hbm.at[pl.ds(tbase, EPT)])
    pltpu.sync_copy(cdstb.at[pl.ds(0, EPT)], cdst_hbm.at[pl.ds(tbase, EPT)])
    pltpu.sync_copy(cewb.at[pl.ds(0, EPT)], cew_hbm.at[pl.ds(tbase, EPT)])
    pltpu.sync_copy(cntb, cnt_hbm.at[c * NS + s])
    plsc.subcore_barrier()
    pltpu.sync_copy(degc_sh.at[sl], degc_hbm.at[c, sl])
    pltpu.sync_copy(degs_sh.at[sl], degs_hbm.at[c, sl])


@jax.jit
def _edge_pass(src, dst2d, attr, m):
    mesh = plsc.VectorSubcoreMesh(core_axis_name="c", subcore_axis_name="s")
    return pl.kernel(
        _edge_body,
        out_type=(
            jax.ShapeDtypeStruct((EP,), jnp.float32),
            jax.ShapeDtypeStruct((EP,), jnp.float32),
            jax.ShapeDtypeStruct((NC, NP), jnp.float32),
            jax.ShapeDtypeStruct((NC, NP), jnp.float32),
            jax.ShapeDtypeStruct((EP,), jnp.int32),
            jax.ShapeDtypeStruct((EP,), jnp.int32),
            jax.ShapeDtypeStruct((EP,), jnp.float32),
            jax.ShapeDtypeStruct((NC * NS, 16), jnp.int32),
        ),
        mesh=mesh,
        compiler_params=pltpu.CompilerParams(needs_layout_passes=False),
        scratch_types=[
            pltpu.VMEM((NP,), jnp.float32),
            pltpu.VMEM((ESUP,), jnp.int32),
            pltpu.VMEM((ESUP // ECH, ECH), jnp.int32),
            pltpu.VMEM((ESUP,), jnp.float32),
            pltpu.VMEM((ESUP,), jnp.float32),
            pltpu.VMEM((ESUP,), jnp.float32),
            pltpu.VMEM((ROWS_C,), jnp.float32),
            pltpu.VMEM((EPT + 64,), jnp.int32),
            pltpu.VMEM((EPT + 64,), jnp.int32),
            pltpu.VMEM((EPT + 64,), jnp.float32),
            pltpu.VMEM((16,), jnp.int32),
            pltpu.SemaphoreType.DMA((2,)),
            pltpu.VMEM_SHARED((NP,), jnp.float32),
            pltpu.VMEM_SHARED((NP,), jnp.float32),
        ],
    )(src, dst2d, attr, m)



def _wide_body(src_hbm, dst_hbm, ew_hbm, xt_hbm, dinv_hbm, cnt_hbm, agg_hbm,
               srcb, dstb, ewb, rows3, dinv_v, scale_v, cnt_smem, gsem, ssem, out_sh):
    c = lax.axis_index("c")
    s = lax.axis_index("s")

    pltpu.sync_copy(dinv_hbm, dinv_v)

    @plsc.parallel_loop(0, CH, unroll=4)
    def _zrow(e):
        for j in range(H // 16):
            rows3[0, e, pl.ds(j * 16, 16)] = jnp.zeros((16,), jnp.float32)

    def _zero_chunk(r, _):
        pltpu.sync_copy(rows3.at[0], out_sh.at[pl.ds(pl.multiple_of(s * ROWS_C + r * CH, CH), CH)])
        return 0

    lax.fori_loop(0, ROWS_C // CH, _zero_chunk, 0)

    plsc.subcore_barrier()

    ebase = pl.multiple_of((c * NS + s) * EPT, EPT)
    pltpu.sync_copy(cnt_hbm.at[c * NS + s], cnt_smem)
    nch = jnp.max(cnt_smem[...]) // CH
    CPS = SUP // CH

    def _fire_gather(i):
        b = lax.rem(i, 4)
        sup = i // CPS
        sb = lax.rem(sup, 2)
        off = pl.multiple_of((i - sup * CPS) * CH, CH)
        idx = srcb.at[sb, pl.ds(off, CH)]
        pltpu.async_copy(xt_hbm.at[idx], rows3.at[b], gsem.at[b])

    def _wait_gather(i):
        b = lax.rem(i, 4)
        sup = i // CPS
        sb = lax.rem(sup, 2)
        off = pl.multiple_of((i - sup * CPS) * CH, CH)
        idx = srcb.at[sb, pl.ds(off, CH)]
        pltpu.make_async_copy(xt_hbm.at[idx], rows3.at[b], gsem.at[b]).wait()

    def _fire_scatter(i):
        b = lax.rem(i, 4)
        sup = i // CPS
        sb = lax.rem(sup, 2)
        loc = i - sup * CPS
        pltpu.async_copy(rows3.at[b], out_sh.at[dstb.at[sb, loc]], ssem.at[b], add=True)

    def _wait_scatter(i):
        b = lax.rem(i, 4)
        sup = i // CPS
        sb = lax.rem(sup, 2)
        loc = i - sup * CPS
        pltpu.make_async_copy(rows3.at[b], out_sh.at[dstb.at[sb, loc]], ssem.at[b]).wait()

    def _load_super(sc):
        sb = lax.rem(sc, 2)
        sbase = pl.multiple_of(ebase + sc * SUP, SUP)
        pltpu.sync_copy(src_hbm.at[pl.ds(sbase, SUP)], srcb.at[sb])
        pltpu.sync_copy(dst_hbm.at[pl.ds(pl.multiple_of(sbase // CH, CPS), CPS)], dstb.at[sb])
        pltpu.sync_copy(ew_hbm.at[pl.ds(sbase, SUP)], ewb.at[sb])

    _load_super(0)

    @pl.when(nch > 0)
    def _():
        _fire_gather(0)

    def _chunk(i, _):
        b = lax.rem(i, 4)
        sup = i // CPS
        sb = lax.rem(sup, 2)
        loc = i - sup * CPS

        @pl.when((loc == CPS - 1) & (sup < EPT // SUP - 1))
        def _():
            _load_super(sup + 1)

        @pl.when(i >= 3)
        def _():
            _wait_scatter(i - 3)

        @pl.when(i < nch - 1)
        def _():
            _fire_gather(i + 1)

        e0 = pl.multiple_of(loc * CH, CH)
        for g in range(CH // 16):
            o = pl.ds(e0 + g * 16, 16)
            sidx = srcb[sb, o]
            dsrc = plsc.load_gather(dinv_v, [sidx])
            scale_v[pl.ds(g * 16, 16)] = ewb[sb, o] * dsrc

        _wait_gather(i)

        @plsc.parallel_loop(0, CH, unroll=4)
        def _scale_row(e):
            bc = _bcast16(scale_v, e)
            for j in range(H // 16):
                rows3[b, e, pl.ds(j * 16, 16)] = rows3[b, e, pl.ds(j * 16, 16)] * bc

        _fire_scatter(i)
        return 0

    lax.fori_loop(0, nch, _chunk, 0)
    for dd in (3, 2, 1):
        @pl.when(nch >= dd)
        def _(dd=dd):
            _wait_scatter(nch - dd)

    plsc.subcore_barrier()

    sl = pl.ds(pl.multiple_of(s * ROWS_C, ROWS_C), ROWS_C)
    pltpu.sync_copy(out_sh.at[sl], agg_hbm.at[c, sl])


@jax.jit
def _wide_pass(src, dst2d, ew, xt, dinv, cnts):
    mesh = plsc.VectorSubcoreMesh(core_axis_name="c", subcore_axis_name="s")
    return pl.kernel(
        _wide_body,
        out_type=jax.ShapeDtypeStruct((NC, NP, H), jnp.float32),
        mesh=mesh,
        compiler_params=pltpu.CompilerParams(needs_layout_passes=False),
        scratch_types=[
            pltpu.VMEM((2, SUP), jnp.int32),
            pltpu.VMEM((2, SUP // CH, CH), jnp.int32),
            pltpu.VMEM((2, SUP), jnp.float32),
            pltpu.VMEM((4, CH, H), jnp.float32),
            pltpu.VMEM((NP,), jnp.float32),
            pltpu.VMEM((CH,), jnp.float32),
            pltpu.VMEM((16,), jnp.int32),
            pltpu.SemaphoreType.DMA((4,)),
            pltpu.SemaphoreType.DMA((4,)),
            pltpu.VMEM_SHARED((NP, H), jnp.float32),
        ],
    )(src, dst2d, ew, xt, dinv, cnts)



def _score_body(src_hbm, dst_hbm, vn_hbm, st_hbm, dinv_hbm, sagg_hbm,
                st_v, dinv_v, srcb, dstb, vnb, valb, dbuf, esem, sagg_sh):
    c = lax.axis_index("c")
    s = lax.axis_index("s")

    pltpu.sync_copy(st_hbm, st_v)
    pltpu.sync_copy(dinv_hbm, dinv_v)

    def _z(i, _):
        dbuf[pl.ds(i * 16, 16)] = jnp.zeros((16,), jnp.float32)
        return 0
    lax.fori_loop(0, ROWS_C // 16, _z, 0)
    sl = pl.ds(pl.multiple_of(s * ROWS_C, ROWS_C), ROWS_C)
    pltpu.sync_copy(dbuf, sagg_sh.at[sl])
    plsc.subcore_barrier()

    ebase = c * (EP // NC) + s * EPT

    def _super(sc, _):
        sbase = pl.multiple_of(ebase + sc * ESUP, ESUP)
        pltpu.sync_copy(src_hbm.at[pl.ds(sbase, ESUP)], srcb)
        pltpu.sync_copy(dst_hbm.at[pl.ds(pl.multiple_of(sbase // ECH, ESUP // ECH), ESUP // ECH)], dstb)
        pltpu.sync_copy(vn_hbm.at[pl.ds(sbase, ESUP)], vnb)

        def _chunk(ch, _):
            e0 = ch * ECH
            for g in range(ECH // 16):
                o = pl.ds(e0 + g * 16, 16)
                sidx = srcb[o]
                stg = plsc.load_gather(st_v, [sidx])
                dg = plsc.load_gather(dinv_v, [sidx])
                valb[o] = vnb[o] * stg * dg
            pltpu.async_copy(valb.at[pl.ds(e0, ECH)], sagg_sh.at[dstb.at[ch]], esem, add=True)
            return 0

        lax.fori_loop(0, ESUP // ECH, _chunk, 0)
        pltpu.make_async_copy(src_hbm.at[pl.ds(sbase, ESUP)], valb, esem).wait()
        return 0

    lax.fori_loop(0, EPT // ESUP, _super, 0)
    plsc.subcore_barrier()
    pltpu.sync_copy(sagg_sh.at[sl], sagg_hbm.at[c, sl])


@jax.jit
def _score_pass(src, dst2d, vn, st, dinvs):
    mesh = plsc.VectorSubcoreMesh(core_axis_name="c", subcore_axis_name="s")
    return pl.kernel(
        _score_body,
        out_type=jax.ShapeDtypeStruct((NC, NP), jnp.float32),
        mesh=mesh,
        compiler_params=pltpu.CompilerParams(needs_layout_passes=False),
        scratch_types=[
            pltpu.VMEM((NP,), jnp.float32),
            pltpu.VMEM((NP,), jnp.float32),
            pltpu.VMEM((ESUP,), jnp.int32),
            pltpu.VMEM((ESUP // ECH, ECH), jnp.int32),
            pltpu.VMEM((ESUP,), jnp.float32),
            pltpu.VMEM((ESUP,), jnp.float32),
            pltpu.VMEM((ROWS_C,), jnp.float32),
            pltpu.SemaphoreType.DMA,
            pltpu.VMEM_SHARED((NP,), jnp.float32),
        ],
    )(src, dst2d, vn, st, dinvs)



_PCH = 64


def _pool_body(hn_hbm, g_hbm, sel_hbm, hp_hbm, pmax_hbm, psum_hbm,
               rows_v, gbuf, selbuf, obuf):
    c = lax.axis_index("c")
    s = lax.axis_index("s")
    wid = c * NS + s
    base = wid * ROWS_W

    neg = jnp.full((16,), -3.0e38, jnp.float32)
    zero = jnp.zeros((16,), jnp.float32)
    acc0 = (neg,) * (H // 16) + (zero,) * (H // 16)

    def _chunk(r, acc):
        row0 = pl.multiple_of(base + r * _PCH, _PCH)
        pltpu.sync_copy(hn_hbm.at[pl.ds(row0, _PCH)], rows_v)
        pltpu.sync_copy(g_hbm.at[pl.ds(row0, _PCH)], gbuf)
        pltpu.sync_copy(sel_hbm.at[pl.ds(row0, _PCH)], selbuf)

        def _row(e, acc):
            bc = _bcast16(gbuf, e)
            selm = _bcast16(selbuf, e) > 0.0
            new = []
            for j in range(H // 16):
                v = rows_v[e, pl.ds(j * 16, 16)] * bc
                rows_v[e, pl.ds(j * 16, 16)] = v
                mx = acc[j]
                new.append(jnp.where(selm, jnp.maximum(mx, v), mx))
            for j in range(H // 16):
                v = rows_v[e, pl.ds(j * 16, 16)]
                new.append(acc[H // 16 + j] + v)
            return tuple(new)

        acc = lax.fori_loop(0, _PCH, _row, acc)
        pltpu.sync_copy(rows_v, hp_hbm.at[pl.ds(row0, _PCH)])
        return acc

    acc = lax.fori_loop(0, ROWS_W // _PCH, _chunk, acc0)

    for j in range(H // 16):
        obuf[pl.ds(j * 16, 16)] = acc[j]
    pltpu.sync_copy(obuf, pmax_hbm.at[c, s])
    for j in range(H // 16):
        obuf[pl.ds(j * 16, 16)] = acc[H // 16 + j]
    pltpu.sync_copy(obuf, psum_hbm.at[c, s])


@jax.jit
def _pool_pass(hn, g, sel):
    mesh = plsc.VectorSubcoreMesh(core_axis_name="c", subcore_axis_name="s")
    return pl.kernel(
        _pool_body,
        out_type=(
            jax.ShapeDtypeStruct((NP, H), jnp.float32),
            jax.ShapeDtypeStruct((NC, NS, H), jnp.float32),
            jax.ShapeDtypeStruct((NC, NS, H), jnp.float32),
        ),
        mesh=mesh,
        compiler_params=pltpu.CompilerParams(needs_layout_passes=False),
        scratch_types=[
            pltpu.VMEM((_PCH, H), jnp.float32),
            pltpu.VMEM((_PCH,), jnp.float32),
            pltpu.VMEM((_PCH,), jnp.float32),
            pltpu.VMEM((H,), jnp.float32),
        ],
    )(hn, g, sel)



def _mm1_body(h_ref, w_ref, degc_ref, degs_ref, xt_ref, dc_ref, ds_ref):
    xt_ref[...] = jnp.dot(h_ref[...], w_ref[...], preferred_element_type=jnp.float32)
    dc_ref[...] = lax.rsqrt(degc_ref[0] + degc_ref[1] + 1.0)
    ds_ref[...] = lax.rsqrt(degs_ref[0] + degs_ref[1] + 1.0)


@jax.jit
def _mm1_prep(h, W, degc2, degs2):
    return pl.pallas_call(
        _mm1_body,
        out_shape=(
            jax.ShapeDtypeStruct((NP, H), jnp.float32),
            jax.ShapeDtypeStruct((NR, H), jnp.float32),
            jax.ShapeDtypeStruct((NR, H), jnp.float32),
        ),
    )(h, W, degc2, degs2)


def _mm2_body(agg_ref, xt_ref, dc_ref, b_ref, wp_ref, hn_ref, st_ref):
    dc = dc_ref[...]
    hn = jax.nn.relu(dc * (agg_ref[0] + agg_ref[1]) + dc * dc * xt_ref[...]
                     + b_ref[...][None, :])
    hn_ref[...] = hn
    st_ref[...] = jnp.dot(hn, wp_ref[...], preferred_element_type=jnp.float32)


@jax.jit
def _mm2(agg, xt, dc_col, b, Wp):
    return pl.pallas_call(
        _mm2_body,
        out_shape=(
            jax.ShapeDtypeStruct((NP, H), jnp.float32),
            jax.ShapeDtypeStruct((NP, 1), jnp.float32),
        ),
    )(agg, xt, dc_col, b, Wp)


def _topk_body(k, sagg_ref, st_ref, dinvs_ref, m_ref, bp_ref, sel_ref, g_ref):
    dinvs = dinvs_ref[...]
    st = st_ref[...]
    score = dinvs * (sagg_ref[0] + sagg_ref[1]) + dinvs * dinvs * st + bp_ref[0, 0]
    scorem = jnp.where(m_ref[...] > 0, score, -jnp.inf)

    bits = lax.bitcast_convert_type(scorem, jnp.int32)
    key = jnp.where(bits >= 0, bits, bits ^ jnp.int32(0x7FFFFFFF))

    cnt_nonneg = jnp.sum((key >= 0).astype(jnp.int32))
    t0 = jnp.where(cnt_nonneg >= k, jnp.int32(0), jnp.int32(-2147483648))

    def _tstep(i, t):
        cand = t | lax.shift_left(jnp.int32(1), jnp.int32(30) - i)
        cnt = jnp.sum((key >= cand).astype(jnp.int32))
        return jnp.where(cnt >= k, cand, t)

    t = lax.fori_loop(0, 31, _tstep, t0)

    cnt_gt = jnp.sum((key > t).astype(jnp.int32))
    need = k - cnt_gt
    idx = (lax.broadcasted_iota(jnp.int32, (NR, H), 0) * H
           + lax.broadcasted_iota(jnp.int32, (NR, H), 1))
    eq = key == t

    def _jstep(i, jv):
        cand = jv | lax.shift_left(jnp.int32(1), jnp.int32(13) - i)
        cnt = jnp.sum((eq & (idx < cand)).astype(jnp.int32))
        return jnp.where(cnt <= need, cand, jv)

    j0 = lax.fori_loop(0, 14, _jstep, jnp.int32(0))

    sel = (key > t) | (eq & (idx < j0))
    self32 = sel.astype(jnp.float32)
    sel_ref[...] = self32
    g_ref[...] = jnp.tanh(score) * self32


import functools


@functools.partial(jax.jit, static_argnums=0)
def _topk_g(k, sagg2, st2, dinvs2, m2, bp):
    return pl.pallas_call(
        functools.partial(_topk_body, k),
        out_shape=(
            jax.ShapeDtypeStruct((NR, H), jnp.float32),
            jax.ShapeDtypeStruct((NR, H), jnp.float32),
        ),
    )(sagg2, st2, dinvs2, m2, bp)


def _head_body(k1, k2, k3, pmax_ref, psum_ref, wl1_ref, bl1_ref, wl2_ref,
               bl2_ref, wl3_ref, bl3_ref, o_ref):
    zs = []
    for l, kk in enumerate((k1, k2, k3)):
        mx = jnp.max(pmax_ref[l], axis=0, keepdims=True)
        mean = jnp.sum(psum_ref[l], axis=0, keepdims=True) / kk
        zs.append(jnp.concatenate([mx, mean], axis=1))
    z = zs[0] + zs[1] + zs[2]
    z = jax.nn.relu(z @ wl1_ref[...] + bl1_ref[...][None, :])
    z = jax.nn.relu(z @ wl2_ref[...] + bl2_ref[...][None, :])
    z = z @ wl3_ref[...] + bl3_ref[...][None, :]
    o_ref[...] = jax.nn.log_softmax(z, axis=-1)


@functools.partial(jax.jit, static_argnums=(0, 1, 2))
def _head(k1, k2, k3, pmax3, psum3, Wl1, bl1, Wl2, bl2, Wl3, bl3):
    return pl.pallas_call(
        functools.partial(_head_body, k1, k2, k3),
        out_shape=jax.ShapeDtypeStruct((1, 2), jnp.float32),
    )(pmax3, psum3, Wl1, bl1, Wl2, bl2, Wl3, bl3)



def _pad_nodes(a):
    return jnp.pad(a, ((0, NP - N),) + ((0, 0),) * (a.ndim - 1))


def kernel(x, edge_index, edge_attr, batch, W1, b1, Wp1, bp1, W2, b2, Wp2, bp2, W3, b3, Wp3, bp3, Wl1, bl1, Wl2, bl2, Wl3, bl3):
    src = edge_index[0].astype(jnp.int32)
    dst = edge_index[1].astype(jnp.int32)
    pad_n = EP - E
    pad_idx = N + (jnp.arange(pad_n, dtype=jnp.int32) % (NP - N))
    src_p = jnp.concatenate([src, pad_idx])
    dst_p = jnp.concatenate([dst, pad_idx])
    dst2dw = dst_p.reshape(EP // CH, CH)
    dst2de = dst_p.reshape(EP // ECH, ECH)
    attr_p = jnp.concatenate([edge_attr, jnp.zeros((pad_n,), jnp.float32)])
    ones_p = jnp.concatenate([jnp.ones((E,), jnp.float32), jnp.zeros((pad_n,), jnp.float32)])

    m = _pad_nodes(jnp.ones((N,), jnp.float32))
    h = _pad_nodes(x)

    ks, n = [], N
    for _ in range(3):
        ks.append(int(math.ceil(0.8 * n)))
        n = ks[-1]
    Ws = [(W1, b1, Wp1, bp1, attr_p), (W2, b2, Wp2, bp2, attr_p),
          (W3, b3, Wp3, bp3, ones_p)]

    pmaxs, psums = [], []
    for li, (W, b, Wp, bp, attr_l) in enumerate(Ws):
        k = ks[li]
        vn, ew, degc2, degs2, csrc, cdst, cew, cnts = _edge_pass(src_p, dst2de, attr_l, m)
        xt, dc2, ds2 = _mm1_prep(h, W, degc2.reshape(NC, NR, H), degs2.reshape(NC, NR, H))
        dinv_c = dc2.reshape(NP)
        dinv_s = ds2.reshape(NP)
        agg = _wide_pass(csrc, cdst.reshape(EP // CH, CH), cew, xt, dinv_c, cnts)
        hn, st = _mm2(agg, xt, jnp.broadcast_to(dinv_c.reshape(NP, 1), (NP, H)), b, Wp)
        st_flat = st.reshape(NP)
        sagg2 = _score_pass(src_p, dst2de, vn, st_flat, dinv_s)
        sel2, g2 = _topk_g(k, sagg2.reshape(NC, NR, H), st_flat.reshape(NR, H),
                           ds2, m.reshape(NR, H), bp.reshape(1, 1))
        sel = sel2.reshape(NP)
        h, pmax, psum = _pool_pass(hn, g2.reshape(NP), sel)
        pmaxs.append(pmax.reshape(NC * NS, H))
        psums.append(psum.reshape(NC * NS, H))
        m = sel

    return _head(float(ks[0]), float(ks[1]), float(ks[2]),
                 jnp.stack(pmaxs), jnp.stack(psums), Wl1, bl1, Wl2, bl2, Wl3, bl3)

# --- scband reference (transcript-rebuilt; emitter-appended) ---
"""Pipeline reference for scband-net-36859409334357 (READ-ONLY COPY).

The authoritative reference and input builder live on the scoring server;
editing this copy changes nothing except your own understanding.
"""

import jax, jax.numpy as jnp
import numpy as np
import math

N = 10000
E = 320000
D = 128
H = 128
C = 2
RATIO = 0.8

def _glorot(key, shape):
    lim = math.sqrt(6.0 / (shape[0] + shape[1]))
    return jax.random.uniform(key, shape, jnp.float32, -lim, lim)

def setup_inputs(seed: int = 0):
    key = jax.random.key(seed)
    ks = jax.random.split(key, 16)
    inp = {}
    inp["x"] = jax.random.normal(ks[0], (N, D), jnp.float32)
    inp["edge_index"] = jax.random.randint(ks[1], (2, E), 0, N, jnp.int32)
    inp["edge_attr"] = jax.random.uniform(ks[2], (E,), jnp.float32)
    inp["batch"] = jnp.zeros((N,), jnp.int32)
    inp["W1"] = _glorot(ks[3], (D, H)); inp["b1"] = jnp.zeros((H,), jnp.float32)
    inp["Wp1"] = _glorot(ks[4], (H, 1)); inp["bp1"] = jnp.zeros((1,), jnp.float32)
    inp["W2"] = _glorot(ks[5], (H, H)); inp["b2"] = jnp.zeros((H,), jnp.float32)
    inp["Wp2"] = _glorot(ks[6], (H, 1)); inp["bp2"] = jnp.zeros((1,), jnp.float32)
    inp["W3"] = _glorot(ks[7], (H, H)); inp["b3"] = jnp.zeros((H,), jnp.float32)
    inp["Wp3"] = _glorot(ks[8], (H, 1)); inp["bp3"] = jnp.zeros((1,), jnp.float32)
    inp["Wl1"] = _glorot(ks[9], (2 * H, H)); inp["bl1"] = jnp.zeros((H,), jnp.float32)
    inp["Wl2"] = _glorot(ks[10], (H, H // 2)); inp["bl2"] = jnp.zeros((H // 2,), jnp.float32)
    inp["Wl3"] = _glorot(ks[11], (H // 2, C)); inp["bl3"] = jnp.zeros((C,), jnp.float32)
    return inp

def gcn_conv(x, src, dst, ew, W, b, n):
    # PyG GCNConv: add self loops (weight 1), symmetric deg normalization
    xt = x @ W
    deg = jnp.zeros((n,), x.dtype).at[dst].add(ew) + 1.0
    dinv = 1.0 / jnp.sqrt(deg)
    norm = dinv[src] * ew * dinv[dst]
    out = jnp.zeros((n, W.shape[1]), x.dtype).at[dst].add(norm[:, None] * xt[src])
    out = out + (dinv * dinv)[:, None] * xt
    return out + b

def sagpool(x, src, dst, attr, valid, batch, Wp, bp, n, k):
    # score conv ignores edge_attr (uses weight 1 on currently-valid edges)
    score = gcn_conv(x, src, dst, valid, Wp, bp, n)[:, 0]
    _, perm = jax.lax.top_k(score, k)
    xn = x[perm] * jnp.tanh(score[perm])[:, None]
    inv = jnp.full((n,), -1, jnp.int32).at[perm].set(jnp.arange(k, dtype=jnp.int32))
    ns = inv[src]
    nd = inv[dst]
    vn = valid * ((ns >= 0) & (nd >= 0)).astype(x.dtype)
    return xn, jnp.maximum(ns, 0), jnp.maximum(nd, 0), attr, vn, batch[perm]

def readout(x, batch, g=1):
    mx = jax.ops.segment_max(x, batch, num_segments=g)
    sm = jax.ops.segment_sum(x, batch, num_segments=g)
    cnt = jax.ops.segment_sum(jnp.ones((x.shape[0],), x.dtype), batch, num_segments=g)
    return jnp.concatenate([mx, sm / cnt[:, None]], axis=1)

def reference(x, edge_index, edge_attr, batch, W1, b1, Wp1, bp1, W2, b2, Wp2, bp2, W3, b3, Wp3, bp3, Wl1, bl1, Wl2, bl2, Wl3, bl3):
    src = edge_index[0].astype(jnp.int32)
    dst = edge_index[1].astype(jnp.int32)
    bt = batch.astype(jnp.int32)
    valid = jnp.ones((src.shape[0],), x.dtype)
    h = jax.nn.relu(gcn_conv(x, src, dst, edge_attr * valid, W1, b1, N))
    k1 = int(math.ceil(RATIO * N))
    h, src, dst, attr, valid, bt = sagpool(h, src, dst, edge_attr, valid, bt, Wp1, bp1, N, k1)
    x1 = readout(h, bt)
    h = jax.nn.relu(gcn_conv(h, src, dst, attr * valid, W2, b2, k1))
    k2 = int(math.ceil(RATIO * k1))
    h, src, dst, attr, valid, bt = sagpool(h, src, dst, attr, valid, bt, Wp2, bp2, k1, k2)
    x2 = readout(h, bt)
    h = jax.nn.relu(gcn_conv(h, src, dst, valid, W3, b3, k2))
    k3 = int(math.ceil(RATIO * k2))
    h, src, dst, attr, valid, bt = sagpool(h, src, dst, attr, valid, bt, Wp3, bp3, k2, k3)
    x3 = readout(h, bt)
    z = x1 + x2 + x3
    z = jax.nn.relu(z @ Wl1 + bl1)
    z = jax.nn.relu(z @ Wl2 + bl2)
    return jax.nn.log_softmax(z @ Wl3 + bl3, axis=-1)

if __name__ == "__main__":
    import jax
    _d = setup_inputs()
    print(jax.jit(kernel)(*tuple(_d.values())))

</pallas_src>

<mosaic_0001>
#map = affine_map<(d0, d1) -> (0)>
#map1 = affine_map<(d0, d1) -> (0, 0)>
module attributes {stable_mosaic.version = 14 : i64} {
  func.func @_edge_body(%arg0: i32, %arg1: i32, %arg2: memref<327680xi32, #tpu.memory_space<hbm>>, %arg3: memref<2560x128xi32, #tpu.memory_space<hbm>>, %arg4: memref<327680xf32, #tpu.memory_space<hbm>>, %arg5: memref<10240xf32, #tpu.memory_space<hbm>>, %arg6: memref<327680xf32, #tpu.memory_space<hbm>>, %arg7: memref<327680xf32, #tpu.memory_space<hbm>>, %arg8: memref<2x10240xf32, #tpu.memory_space<hbm>>, %arg9: memref<2x10240xf32, #tpu.memory_space<hbm>>, %arg10: memref<327680xi32, #tpu.memory_space<hbm>>, %arg11: memref<327680xi32, #tpu.memory_space<hbm>>, %arg12: memref<327680xf32, #tpu.memory_space<hbm>>, %arg13: memref<32x16xi32, #tpu.memory_space<hbm>>, %arg14: memref<10240xf32, #tpu.memory_space<vmem>>, %arg15: memref<2048xi32, #tpu.memory_space<vmem>>, %arg16: memref<16x128xi32, #tpu.memory_space<vmem>>, %arg17: memref<2048xf32, #tpu.memory_space<vmem>>, %arg18: memref<2048xf32, #tpu.memory_space<vmem>>, %arg19: memref<2048xf32, #tpu.memory_space<vmem>>, %arg20: memref<640xf32, #tpu.memory_space<vmem>>, %arg21: memref<10304xi32, #tpu.memory_space<vmem>>, %arg22: memref<10304xi32, #tpu.memory_space<vmem>>, %arg23: memref<10304xf32, #tpu.memory_space<vmem>>, %arg24: memref<16xi32, #tpu.memory_space<vmem>>, %arg25: memref<2x!tpu.dma_semaphore, #tpu.memory_space<semaphore_mem>>, %arg26: memref<10240xf32, #tpu.memory_space<vmem_shared>>, %arg27: memref<10240xf32, #tpu.memory_space<vmem_shared>>) attributes {dimension_semantics = [#tpu.dimension_semantics<core_parallel>, #tpu.dimension_semantics<subcore_parallel>], iteration_bounds = array<i64: 2, 16>, scalar_prefetch = 0 : i64, scratch_operands = 14 : i64, tpu.core_type = #tpu.core_type<sc_vector_subcore>, window_params = [{transform_indices = #map}, {transform_indices = #map1}, {transform_indices = #map}, {transform_indices = #map}, {transform_indices = #map}, {transform_indices = #map}, {transform_indices = #map1}, {transform_indices = #map1}, {transform_indices = #map}, {transform_indices = #map}, {transform_indices = #map}, {transform_indices = #map1}]} {
    "tpu.region"() ({
      %run_scoped3A = tpu.sem_alloc : memref<!tpu.dma_semaphore, #tpu.memory_space<semaphore_mem>>
      tpu.enqueue_dma source(%arg5 : memref<10240xf32, #tpu.memory_space<hbm>>) target(%arg14 : memref<10240xf32, #tpu.memory_space<vmem>>) target_semaphore(%run_scoped3A : memref<!tpu.dma_semaphore, #tpu.memory_space<semaphore_mem>>)
      tpu.wait_dma2 semaphore(%run_scoped3A : memref<!tpu.dma_semaphore, #tpu.memory_space<semaphore_mem>>) src(%arg5 : memref<10240xf32, #tpu.memory_space<hbm>>) dst(%arg14 : memref<10240xf32, #tpu.memory_space<vmem>>)
      tpu.yield
    }) : () -> ()
    %iota3A = tpu.iota {dimensions = array<i32: 0>} : vector<16xi32>
    %mul3A = arith.constant 17 : i32
    %mul3A_0 = vector.broadcast %mul3A : i32 to vector<16xi32>
    %mul3A_1 = arith.muli %iota3A, %mul3A_0 : vector<16xi32>
    %mul3A_2 = arith.constant 16 : i32
    %mul3A_3 = arith.muli %arg1, %mul3A_2 : i32
    %add3A = vector.broadcast %mul3A_3 : i32 to vector<16xi32>
    %add3A_4 = arith.addi %mul3A_1, %add3A : vector<16xi32>
    %rem3A = arith.constant 240 : i32
    %rem3A_5 = vector.broadcast %rem3A : i32 to vector<16xi32>
    %rem3A_6 = arith.remsi %add3A_4, %rem3A_5 : vector<16xi32>
    %add3A_7 = arith.constant 10000 : i32
    %add3A_8 = vector.broadcast %add3A_7 : i32 to vector<16xi32>
    %add3A_9 = arith.addi %add3A_8, %rem3A_6 : vector<16xi32>
    %broadcast_in_dim3A = arith.constant 0.000000e+00 : f32
    %broadcast_in_dim3A_10 = vector.broadcast %broadcast_in_dim3A : f32 to vector<16xf32>
    %scan3A = arith.constant 0 : i32
    %scan3A_11 = arith.constant 0 : i32
    %scan3A_12 = arith.constant 644 : i32
    %scan3A_13 = arith.addi %scan3A_11, %scan3A_12 : i32
    %scan3A_14 = arith.constant 1 : i32
    %scan3A_15 = scf.for %scan3A_73 = %scan3A_11 to %scan3A_13 step %scan3A_14 iter_args(%scan3A_74 = %scan3A) -> (i32)  : i32 {
      %mul3A_75 = arith.constant 16 : i32
      %mul3A_76 = arith.muli %scan3A_73, %mul3A_75 : i32
      %swap3A_77 = arith.index_cast %mul3A_76 : i32 to index
      %swap3A_78 = tpu.vector_load %arg21[%swap3A_77] {strides = array<i32>} : memref<10304xi32, #tpu.memory_space<vmem>>, vector<16xi32>,
      tpu.vector_store %arg21[%swap3A_77], %add3A_9 {strides = array<i32>} : memref<10304xi32, #tpu.memory_space<vmem>>, vector<16xi32>,
      %swap3A_79 = arith.index_cast %mul3A_76 : i32 to index
      %swap3A_80 = tpu.vector_load %arg22[%swap3A_79] {strides = array<i32>} : memref<10304xi32, #tpu.memory_space<vmem>>, vector<16xi32>,
      tpu.vector_store %arg22[%swap3A_79], %add3A_9 {strides = array<i32>} : memref<10304xi32, #tpu.memory_space<vmem>>, vector<16xi32>,
      %swap3A_81 = arith.index_cast %mul3A_76 : i32 to index
      %swap3A_82 = tpu.vector_load %arg23[%swap3A_81] {strides = array<i32>} : memref<10304xf32, #tpu.memory_space<vmem>>, vector<16xf32>,
      tpu.vector_store %arg23[%swap3A_81], %broadcast_in_dim3A_10 {strides = array<i32>} : memref<10304xf32, #tpu.memory_space<vmem>>, vector<16xf32>,
      %scan3A_83 = arith.constant 0 : i32
      scf.yield %scan3A_83 : i32
    }
    %scan3A_16 = arith.constant 644 : i32
    %scan3A_17 = arith.constant 0 : i32
    %scan3A_18 = arith.constant 0 : i32
    %scan3A_19 = arith.constant 40 : i32
    %scan3A_20 = arith.addi %scan3A_18, %scan3A_19 : i32
    %scan3A_21 = arith.constant 1 : i32
    %scan3A_22 = scf.for %scan3A_73 = %scan3A_18 to %scan3A_20 step %scan3A_21 iter_args(%scan3A_74 = %scan3A_17) -> (i32)  : i32 {
      %broadcast_in_dim3A_75 = arith.constant 0.000000e+00 : f32
      %broadcast_in_dim3A_76 = vector.broadcast %broadcast_in_dim3A_75 : f32 to vector<16xf32>
      %mul3A_77 = arith.constant 16 : i32
      %mul3A_78 = arith.muli %scan3A_73, %mul3A_77 : i32
      %swap3A_79 = arith.index_cast %mul3A_78 : i32 to index
      %swap3A_80 = tpu.vector_load %arg20[%swap3A_79] {strides = array<i32>} : memref<640xf32, #tpu.memory_space<vmem>>, vector<16xf32>,
      tpu.vector_store %arg20[%swap3A_79], %broadcast_in_dim3A_76 {strides = array<i32>} : memref<640xf32, #tpu.memory_space<vmem>>, vector<16xf32>,
      %scan3A_81 = arith.constant 0 : i32
      scf.yield %scan3A_81 : i32
    }
    %scan3A_23 = arith.constant 40 : i32
    %mul3A_24 = arith.constant 640 : i32
    %mul3A_25 = arith.muli %arg1, %mul3A_24 : i32
    %multiple_of3A = tpu.assume_multiple %mul3A_25, 640 : i32
    "tpu.region"() ({
      %run_scoped3A = tpu.sem_alloc : memref<!tpu.dma_semaphore, #tpu.memory_space<semaphore_mem>>
      %dma_start3A = tpu.memref_slice %arg26[%multiple_of3A] : memref<10240xf32, #tpu.memory_space<vmem_shared>> -> memref<640xf32, #tpu.memory_space<vmem_shared>>
      %dma_start3A_73 = tpu.memref_slice %arg26[%multiple_of3A] : memref<10240xf32, #tpu.memory_space<vmem_shared>> -> memref<640xf32, #tpu.memory_space<vmem_shared>>
      tpu.enqueue_dma source(%arg20 : memref<640xf32, #tpu.memory_space<vmem>>) target(%dma_start3A_73 : memref<640xf32, #tpu.memory_space<vmem_shared>>) target_semaphore(%run_scoped3A : memref<!tpu.dma_semaphore, #tpu.memory_space<semaphore_mem>>)
      %dma_wait3A = tpu.memref_slice %arg26[%multiple_of3A] : memref<10240xf32, #tpu.memory_space<vmem_shared>> -> memref<640xf32, #tpu.memory_space<vmem_shared>>
      %dma_wait3A_74 = tpu.memref_slice %arg26[%multiple_of3A] : memref<10240xf32, #tpu.memory_space<vmem_shared>> -> memref<640xf32, #tpu.memory_space<vmem_shared>>
      tpu.wait_dma2 semaphore(%run_scoped3A : memref<!tpu.dma_semaphore, #tpu.memory_space<semaphore_mem>>) src(%arg20 : memref<640xf32, #tpu.memory_space<vmem>>) dst(%dma_wait3A_74 : memref<640xf32, #tpu.memory_space<vmem_shared>>)
      tpu.yield
    }) : () -> ()
    "tpu.region"() ({
      %run_scoped3A = tpu.sem_alloc : memref<!tpu.dma_semaphore, #tpu.memory_space<semaphore_mem>>
      %dma_start3A = tpu.memref_slice %arg27[%multiple_of3A] : memref<10240xf32, #tpu.memory_space<vmem_shared>> -> memref<640xf32, #tpu.memory_space<vmem_shared>>
      %dma_start3A_73 = tpu.memref_slice %arg27[%multiple_of3A] : memref<10240xf32, #tpu.memory_space<vmem_shared>> -> memref<640xf32, #tpu.memory_space<vmem_shared>>
      tpu.enqueue_dma source(%arg20 : memref<640xf32, #tpu.memory_space<vmem>>) target(%dma_start3A_73 : memref<640xf32, #tpu.memory_space<vmem_shared>>) target_semaphore(%run_scoped3A : memref<!tpu.dma_semaphore, #tpu.memory_space<semaphore_mem>>)
      %dma_wait3A = tpu.memref_slice %arg27[%multiple_of3A] : memref<10240xf32, #tpu.memory_space<vmem_shared>> -> memref<640xf32, #tpu.memory_space<vmem_shared>>
      %dma_wait3A_74 = tpu.memref_slice %arg27[%multiple_of3A] : memref<10240xf32, #tpu.memory_space<vmem_shared>> -> memref<640xf32, #tpu.memory_space<vmem_shared>>
      tpu.wait_dma2 semaphore(%run_scoped3A : memref<!tpu.dma_semaphore, #tpu.memory_space<semaphore_mem>>) src(%arg20 : memref<640xf32, #tpu.memory_space<vmem>>) dst(%dma_wait3A_74 : memref<640xf32, #tpu.memory_space<vmem_shared>>)
      tpu.yield
    }) : () -> ()
    %barrier3A = arith.constant 0 : index
    tpu.barrier barrier_id(%barrier3A)
    %mul3A_26 = arith.constant 163840 : i32
    %mul3A_27 = arith.muli %arg0, %mul3A_26 : i32
    %mul3A_28 = arith.constant 10240 : i32
    %mul3A_29 = arith.muli %arg1, %mul3A_28 : i32
    %add3A_30 = arith.addi %mul3A_27, %mul3A_29 : i32
    %scan3A_31 = arith.constant 0 : i32
    %scan3A_32 = arith.constant 0 : i32
    %scan3A_33 = arith.constant 5 : i32
    %scan3A_34 = arith.addi %scan3A_32, %scan3A_33 : i32
    %scan3A_35 = arith.constant 1 : i32
    %scan3A_36 = scf.for %scan3A_73 = %scan3A_32 to %scan3A_34 step %scan3A_35 iter_args(%scan3A_74 = %scan3A_31) -> (i32)  : i32 {
      %mul3A_75 = arith.constant 2048 : i32
      %mul3A_76 = arith.muli %scan3A_73, %mul3A_75 : i32
      %add3A_77 = arith.addi %add3A_30, %mul3A_76 : i32
      %multiple_of3A_78 = tpu.assume_multiple %add3A_77, 2048 : i32
      "tpu.region"() ({
        %run_scoped3A = tpu.sem_alloc : memref<!tpu.dma_semaphore, #tpu.memory_space<semaphore_mem>>
        %dma_start3A = tpu.memref_slice %arg2[%multiple_of3A_78] : memref<327680xi32, #tpu.memory_space<hbm>> -> memref<2048xi32, #tpu.memory_space<hbm>>
        %dma_start3A_119 = tpu.memref_slice %arg2[%multiple_of3A_78] : memref<327680xi32, #tpu.memory_space<hbm>> -> memref<2048xi32, #tpu.memory_space<hbm>>
        tpu.enqueue_dma source(%dma_start3A_119 : memref<2048xi32, #tpu.memory_space<hbm>>) target(%arg15 : memref<2048xi32, #tpu.memory_space<vmem>>) target_semaphore(%run_scoped3A : memref<!tpu.dma_semaphore, #tpu.memory_space<semaphore_mem>>)
        %dma_wait3A_120 = tpu.memref_slice %arg2[%multiple_of3A_78] : memref<327680xi32, #tpu.memory_space<hbm>> -> memref<2048xi32, #tpu.memory_space<hbm>>
        %dma_wait3A_121 = tpu.memref_slice %arg2[%multiple_of3A_78] : memref<327680xi32, #tpu.memory_space<hbm>> -> memref<2048xi32, #tpu.memory_space<hbm>>
        tpu.wait_dma2 semaphore(%run_scoped3A : memref<!tpu.dma_semaphore, #tpu.memory_space<semaphore_mem>>) src(%dma_wait3A_121 : memref<2048xi32, #tpu.memory_space<hbm>>) dst(%arg15 : memref<2048xi32, #tpu.memory_space<vmem>>)
        tpu.yield
      }) : () -> ()
      %jit3A_79 = arith.constant 128 : i32
      %div3A_80 = arith.divsi %multiple_of3A_78, %jit3A_79 : i32
      %sign3A_81 = arith.constant 0 : i32
      %sign3A_82 = arith.cmpi sgt, %multiple_of3A_78, %sign3A_81 : i32
      %sign3A_83 = arith.extui %sign3A_82 : i1 to i32
      %sign3A_84 = arith.constant 0 : i32
      %sign3A_85 = arith.cmpi slt, %multiple_of3A_78, %sign3A_84 : i32
      %sign3A_86 = arith.extui %sign3A_85 : i1 to i32
      %sign3A_87 = arith.subi %sign3A_83, %sign3A_86 : i32
      %sign3A_88 = arith.constant 0 : i32
      %sign3A_89 = arith.cmpi sgt, %jit3A_79, %sign3A_88 : i32
      %sign3A_90 = arith.extui %sign3A_89 : i1 to i32
      %sign3A_91 = arith.constant 0 : i32
      %sign3A_92 = arith.cmpi slt, %jit3A_79, %sign3A_91 : i32
      %sign3A_93 = arith.extui %sign3A_92 : i1 to i32
      %sign3A_94 = arith.subi %sign3A_90, %sign3A_93 : i32
      %ne3A_95 = arith.cmpi ne, %sign3A_87, %sign3A_94 : i32
      %rem3A_96 = arith.remsi %multiple_of3A_78, %jit3A_79 : i32
      %ne3A_97 = arith.constant 0 : i32
      %ne3A_98 = arith.cmpi ne, %rem3A_96, %ne3A_97 : i32
      %and3A_99 = arith.andi %ne3A_95, %ne3A_98 : i1
      %sub3A_100 = arith.constant 1 : i32
      %sub3A_101 = arith.subi %div3A_80, %sub3A_100 : i32
      %select_n3A_102 = arith.select %and3A_99, %sub3A_101, %div3A_80 : i32
      %multiple_of3A_103 = tpu.assume_multiple %select_n3A_102, 16 : i32
      "tpu.region"() ({
        %run_scoped3A = tpu.sem_alloc : memref<!tpu.dma_semaphore, #tpu.memory_space<semaphore_mem>>
        %dma_start3A = arith.constant 0 : i32
        %dma_start3A_119 = tpu.memref_slice %arg3[%multiple_of3A_103, %dma_start3A] : memref<2560x128xi32, #tpu.memory_space<hbm>> -> memref<16x128xi32, #tpu.memory_space<hbm>>
        %dma_start3A_120 = arith.constant 0 : i32
        %dma_start3A_121 = tpu.memref_slice %arg3[%multiple_of3A_103, %dma_start3A_120] : memref<2560x128xi32, #tpu.memory_space<hbm>> -> memref<16x128xi32, #tpu.memory_space<hbm>>
        tpu.enqueue_dma source(%dma_start3A_121 : memref<16x128xi32, #tpu.memory_space<hbm>>) target(%arg16 : memref<16x128xi32, #tpu.memory_space<vmem>>) target_semaphore(%run_scoped3A : memref<!tpu.dma_semaphore, #tpu.memory_space<semaphore_mem>>)
        %dma_wait3A_122 = arith.constant 0 : i32
        %dma_wait3A_123 = tpu.memref_slice %arg3[%multiple_of3A_103, %dma_wait3A_122] : memref<2560x128xi32, #tpu.memory_space<hbm>> -> memref<16x128xi32, #tpu.memory_space<hbm>>
        %dma_wait3A_124 = arith.constant 0 : i32
        %dma_wait3A_125 = tpu.memref_slice %arg3[%multiple_of3A_103, %dma_wait3A_124] : memref<2560x128xi32, #tpu.memory_space<hbm>> -> memref<16x128xi32, #tpu.memory_space<hbm>>
        tpu.wait_dma2 semaphore(%run_scoped3A : memref<!tpu.dma_semaphore, #tpu.memory_space<semaphore_mem>>) src(%dma_wait3A_125 : memref<16x128xi32, #tpu.memory_space<hbm>>) dst(%arg16 : memref<16x128xi32, #tpu.memory_space<vmem>>)
        tpu.yield
      }) : () -> ()
      "tpu.region"() ({
        %run_scoped3A = tpu.sem_alloc : memref<!tpu.dma_semaphore, #tpu.memory_space<semaphore_mem>>
        %dma_start3A = tpu.memref_slice %arg4[%multiple_of3A_78] : memref<327680xf32, #tpu.memory_space<hbm>> -> memref<2048xf32, #tpu.memory_space<hbm>>
        %dma_start3A_119 = tpu.memref_slice %arg4[%multiple_of3A_78] : memref<327680xf32, #tpu.memory_space<hbm>> -> memref<2048xf32, #tpu.memory_space<hbm>>
        tpu.enqueue_dma source(%dma_start3A_119 : memref<2048xf32, #tpu.memory_space<hbm>>) target(%arg17 : memref<2048xf32, #tpu.memory_space<vmem>>) target_semaphore(%run_scoped3A : memref<!tpu.dma_semaphore, #tpu.memory_space<semaphore_mem>>)
        %dma_wait3A_120 = tpu.memref_slice %arg4[%multiple_of3A_78] : memref<327680xf32, #tpu.memory_space<hbm>> -> memref<2048xf32, #tpu.memory_space<hbm>>
        %dma_wait3A_121 = tpu.memref_slice %arg4[%multiple_of3A_78] : memref<327680xf32, #tpu.memory_space<hbm>> -> memref<2048xf32, #tpu.memory_space<hbm>>
        tpu.wait_dma2 semaphore(%run_scoped3A : memref<!tpu.dma_semaphore, #tpu.memory_space<semaphore_mem>>) src(%dma_wait3A_121 : memref<2048xf32, #tpu.memory_space<hbm>>) dst(%arg17 : memref<2048xf32, #tpu.memory_space<vmem>>)
        tpu.yield
      }) : () -> ()
      %scan3A_104 = arith.constant 0 : i32
      %scan3A_105 = arith.constant 16 : i32
      %scan3A_106 = arith.addi %scan3A_104, %scan3A_105 : i32
      %scan3A_107 = arith.constant 1 : i32
      %scan3A_108 = scf.for %scan3A_119 = %scan3A_104 to %scan3A_106 step %scan3A_107 iter_args(%scan3A_120 = %scan3A_74) -> (i32)  : i32 {
        %mul3A_121 = arith.constant 128 : i32
        %mul3A_122 = arith.muli %scan3A_119, %mul3A_121 : i32
        %add3A_123 = arith.constant 0 : i32
        %add3A_124 = arith.addi %mul3A_122, %add3A_123 : i32
        %get3A = arith.index_cast %add3A_124 : i32 to index
        %get3A_125 = tpu.vector_load %arg15[%get3A] {strides = array<i32>} : memref<2048xi32, #tpu.memory_space<vmem>>, vector<16xi32>,
        %get3A_126 = arith.index_cast %scan3A_119 : i32 to index
        %get3A_127 = arith.constant 0 : index
        %get3A_128 = tpu.vector_load %arg16[%get3A_126, %get3A_127] {strides = array<i32>} : memref<16x128xi32, #tpu.memory_space<vmem>>, vector<16xi32>,
        %gather3A = tpu.vector_load_idx %arg14[%get3A_125] : memref<10240xf32, #tpu.memory_space<vmem>>[vector<16xi32>], vector<16xf32>,
        %gather3A_129 = tpu.vector_load_idx %arg14[%get3A_128] : memref<10240xf32, #tpu.memory_space<vmem>>[vector<16xi32>], vector<16xf32>,
        %mul3A_130 = arith.mulf %gather3A, %gather3A_129 : vector<16xf32>
        %get3A_131 = arith.index_cast %add3A_124 : i32 to index
        %get3A_132 = tpu.vector_load %arg17[%get3A_131] {strides = array<i32>} : memref<2048xf32, #tpu.memory_space<vmem>>, vector<16xf32>,
        %mul3A_133 = arith.mulf %get3A_132, %mul3A_130 : vector<16xf32>
        %swap3A_134 = arith.index_cast %add3A_124 : i32 to index
        %swap3A_135 = tpu.vector_load %arg18[%swap3A_134] {strides = array<i32>} : memref<2048xf32, #tpu.memory_space<vmem>>, vector<16xf32>,
        tpu.vector_store %arg18[%swap3A_134], %mul3A_130 {strides = array<i32>} : memref<2048xf32, #tpu.memory_space<vmem>>, vector<16xf32>,
        %swap3A_136 = arith.index_cast %add3A_124 : i32 to index
        %swap3A_137 = tpu.vector_load %arg19[%swap3A_136] {strides = array<i32>} : memref<2048xf32, #tpu.memory_space<vmem>>, vector<16xf32>,
        tpu.vector_store %arg19[%swap3A_136], %mul3A_133 {strides = array<i32>} : memref<2048xf32, #tpu.memory_space<vmem>>, vector<16xf32>,
        %ne3A_138 = arith.constant 0.000000e+00 : f32
        %ne3A_139 = vector.broadcast %ne3A_138 : f32 to vector<16xf32>
        %ne3A_140 = arith.cmpf one, %mul3A_133, %ne3A_139 : vector<16xf32>
        %swap3A_141 = arith.index_cast %scan3A_120 : i32 to index
        %swap3A_142 = tpu.vector_load %arg21[%swap3A_141] masked %ne3A_140 {strides = array<i32>} : memref<10304xi32, #tpu.memory_space<vmem>>, vector<16xi32>, vector<16xi1>
        tpu.vector_store %arg21[%swap3A_141], %get3A_125 masked %ne3A_140 {strides = array<i32>} : memref<10304xi32, #tpu.memory_space<vmem>>, vector<16xi32>, vector<16xi1>
        %swap3A_143 = arith.index_cast %scan3A_120 : i32 to index
        %swap3A_144 = tpu.vector_load %arg22[%swap3A_143] masked %ne3A_140 {strides = array<i32>} : memref<10304xi32, #tpu.memory_space<vmem>>, vector<16xi32>, vector<16xi1>
        tpu.vector_store %arg22[%swap3A_143], %get3A_128 masked %ne3A_140 {strides = array<i32>} : memref<10304xi32, #tpu.memory_space<vmem>>, vector<16xi32>, vector<16xi1>
        %swap3A_145 = arith.index_cast %scan3A_120 : i32 to index
        %swap3A_146 = tpu.vector_load %arg23[%swap3A_145] masked %ne3A_140 {strides = array<i32>} : memref<10304xf32, #tpu.memory_space<vmem>>, vector<16xf32>, vector<16xi1>
        tpu.vector_store %arg23[%swap3A_145], %mul3A_133 masked %ne3A_140 {strides = array<i32>} : memref<10304xf32, #tpu.memory_space<vmem>>, vector<16xf32>, vector<16xi1>
        %convert_element_type3A = arith.extui %ne3A_140 : vector<16xi1> to vector<16xi32>
        %reduce_sum3A = arith.constant true
        %reduce_sum3A_147 = vector.broadcast %reduce_sum3A : i1 to vector<16xi1>
        %reduce_sum3A_148 = tpu.scan <sum>, %convert_element_type3A masked %reduce_sum3A_147 : vector<16xi32>, vector<16xi1> -> vector<16xi32>
        %reduce_sum3A_149 = vector.extract %reduce_sum3A_148[15] : i32 from vector<16xi32>
        %add3A_150 = arith.addi %scan3A_120, %reduce_sum3A_149 : i32
        %add3A_151 = arith.constant 16 : i32
        %add3A_152 = arith.addi %mul3A_122, %add3A_151 : i32
        %get3A_153 = arith.index_cast %add3A_152 : i32 to index
        %get3A_154 = tpu.vector_load %arg15[%get3A_153] {strides = array<i32>} : memref<2048xi32, #tpu.memory_space<vmem>>, vector<16xi32>,
        %get3A_155 = arith.index_cast %scan3A_119 : i32 to index
        %get3A_156 = arith.constant 16 : index
        %get3A_157 = tpu.vector_load %arg16[%get3A_155, %get3A_156] {strides = array<i32>} : memref<16x128xi32, #tpu.memory_space<vmem>>, vector<16xi32>,
        %gather3A_158 = tpu.vector_load_idx %arg14[%get3A_154] : memref<10240xf32, #tpu.memory_space<vmem>>[vector<16xi32>], vector<16xf32>,
        %gather3A_159 = tpu.vector_load_idx %arg14[%get3A_157] : memref<10240xf32, #tpu.memory_space<vmem>>[vector<16xi32>], vector<16xf32>,
        %mul3A_160 = arith.mulf %gather3A_158, %gather3A_159 : vector<16xf32>
        %get3A_161 = arith.index_cast %add3A_152 : i32 to index
        %get3A_162 = tpu.vector_load %arg17[%get3A_161] {strides = array<i32>} : memref<2048xf32, #tpu.memory_space<vmem>>, vector<16xf32>,
        %mul3A_163 = arith.mulf %get3A_162, %mul3A_160 : vector<16xf32>
        %swap3A_164 = arith.index_cast %add3A_152 : i32 to index
        %swap3A_165 = tpu.vector_load %arg18[%swap3A_164] {strides = array<i32>} : memref<2048xf32, #tpu.memory_space<vmem>>, vector<16xf32>,
        tpu.vector_store %arg18[%swap3A_164], %mul3A_160 {strides = array<i32>} : memref<2048xf32, #tpu.memory_space<vmem>>, vector<16xf32>,
        %swap3A_166 = arith.index_cast %add3A_152 : i32 to index
        %swap3A_167 = tpu.vector_load %arg19[%swap3A_166] {strides = array<i32>} : memref<2048xf32, #tpu.memory_space<vmem>>, vector<16xf32>,
        tpu.vector_store %arg19[%swap3A_166], %mul3A_163 {strides = array<i32>} : memref<2048xf32, #tpu.memory_space<vmem>>, vector<16xf32>,
        %ne3A_168 = arith.constant 0.000000e+00 : f32
        %ne3A_169 = vector.broadcast %ne3A_168 : f32 to vector<16xf32>
        %ne3A_170 = arith.cmpf one, %mul3A_163, %ne3A_169 : vector<16xf32>
        %swap3A_171 = arith.index_cast %add3A_150 : i32 to index
        %swap3A_172 = tpu.vector_load %arg21[%swap3A_171] masked %ne3A_170 {strides = array<i32>} : memref<10304xi32, #tpu.memory_space<vmem>>, vector<16xi32>, vector<16xi1>
        tpu.vector_store %arg21[%swap3A_171], %get3A_154 masked %ne3A_170 {strides = array<i32>} : memref<10304xi32, #tpu.memory_space<vmem>>, vector<16xi32>, vector<16xi1>
        %swap3A_173 = arith.index_cast %add3A_150 : i32 to index
        %swap3A_174 = tpu.vector_load %arg22[%swap3A_173] masked %ne3A_170 {strides = array<i32>} : memref<10304xi32, #tpu.memory_space<vmem>>, vector<16xi32>, vector<16xi1>
        tpu.vector_store %arg22[%swap3A_173], %get3A_157 masked %ne3A_170 {strides = array<i32>} : memref<10304xi32, #tpu.memory_space<vmem>>, vector<16xi32>, vector<16xi1>
        %swap3A_175 = arith.index_cast %add3A_150 : i32 to index
        %swap3A_176 = tpu.vector_load %arg23[%swap3A_175] masked %ne3A_170 {strides = array<i32>} : memref<10304xf32, #tpu.memory_space<vmem>>, vector<16xf32>, vector<16xi1>
        tpu.vector_store %arg23[%swap3A_175], %mul3A_163 masked %ne3A_170 {strides = array<i32>} : memref<10304xf32, #tpu.memory_space<vmem>>, vector<16xf32>, vector<16xi1>
        %convert_element_type3A_177 = arith.extui %ne3A_170 : vector<16xi1> to vector<16xi32>
        %reduce_sum3A_178 = arith.constant true
        %reduce_sum3A_179 = vector.broadcast %reduce_sum3A_178 : i1 to vector<16xi1>
        %reduce_sum3A_180 = tpu.scan <sum>, %convert_element_type3A_177 masked %reduce_sum3A_179 : vector<16xi32>, vector<16xi1> -> vector<16xi32>
        %reduce_sum3A_181 = vector.extract %reduce_sum3A_180[15] : i32 from vector<16xi32>
        %add3A_182 = arith.addi %add3A_150, %reduce_sum3A_181 : i32
        %add3A_183 = arith.constant 32 : i32
        %add3A_184 = arith.addi %mul3A_122, %add3A_183 : i32
        %get3A_185 = arith.index_cast %add3A_184 : i32 to index
        %get3A_186 = tpu.vector_load %arg15[%get3A_185] {strides = array<i32>} : memref<2048xi32, #tpu.memory_space<vmem>>, vector<16xi32>,
        %get3A_187 = arith.index_cast %scan3A_119 : i32 to index
        %get3A_188 = arith.constant 32 : index
        %get3A_189 = tpu.vector_load %arg16[%get3A_187, %get3A_188] {strides = array<i32>} : memref<16x128xi32, #tpu.memory_space<vmem>>, vector<16xi32>,
        %gather3A_190 = tpu.vector_load_idx %arg14[%get3A_186] : memref<10240xf32, #tpu.memory_space<vmem>>[vector<16xi32>], vector<16xf32>,
        %gather3A_191 = tpu.vector_load_idx %arg14[%get3A_189] : memref<10240xf32, #tpu.memory_space<vmem>>[vector<16xi32>], vector<16xf32>,
        %mul3A_192 = arith.mulf %gather3A_190, %gather3A_191 : vector<16xf32>
        %get3A_193 = arith.index_cast %add3A_184 : i32 to index
        %get3A_194 = tpu.vector_load %arg17[%get3A_193] {strides = array<i32>} : memref<2048xf32, #tpu.memory_space<vmem>>, vector<16xf32>,
        %mul3A_195 = arith.mulf %get3A_194, %mul3A_192 : vector<16xf32>
        %swap3A_196 = arith.index_cast %add3A_184 : i32 to index
        %swap3A_197 = tpu.vector_load %arg18[%swap3A_196] {strides = array<i32>} : memref<2048xf32, #tpu.memory_space<vmem>>, vector<16xf32>,
        tpu.vector_store %arg18[%swap3A_196], %mul3A_192 {strides = array<i32>} : memref<2048xf32, #tpu.memory_space<vmem>>, vector<16xf32>,
        %swap3A_198 = arith.index_cast %add3A_184 : i32 to index
        %swap3A_199 = tpu.vector_load %arg19[%swap3A_198] {strides = array<i32>} : memref<2048xf32, #tpu.memory_space<vmem>>, vector<16xf32>,
        tpu.vector_store %arg19[%swap3A_198], %mul3A_195 {strides = array<i32>} : memref<2048xf32, #tpu.memory_space<vmem>>, vector<16xf32>,
        %ne3A_200 = arith.constant 0.000000e+00 : f32
        %ne3A_201 = vector.broadcast %ne3A_200 : f32 to vector<16xf32>
        %ne3A_202 = arith.cmpf one, %mul3A_195, %ne3A_201 : vector<16xf32>
        %swap3A_203 = arith.index_cast %add3A_182 : i32 to index
        %swap3A_204 = tpu.vector_load %arg21[%swap3A_203] masked %ne3A_202 {strides = array<i32>} : memref<10304xi32, #tpu.memory_space<vmem>>, vector<16xi32>, vector<16xi1>
        tpu.vector_store %arg21[%swap3A_203], %get3A_186 masked %ne3A_202 {strides = array<i32>} : memref<10304xi32, #tpu.memory_space<vmem>>, vector<16xi32>, vector<16xi1>
        %swap3A_205 = arith.index_cast %add3A_182 : i32 to index
        %swap3A_206 = tpu.vector_load %arg22[%swap3A_205] masked %ne3A_202 {strides = array<i32>} : memref<10304xi32, #tpu.memory_space<vmem>>, vector<16xi32>, vector<16xi1>
        tpu.vector_store %arg22[%swap3A_205], %get3A_189 masked %ne3A_202 {strides = array<i32>} : memref<10304xi32, #tpu.memory_space<vmem>>, vector<16xi32>, vector<16xi1>
        %swap3A_207 = arith.index_cast %add3A_182 : i32 to index
        %swap3A_208 = tpu.vector_load %arg23[%swap3A_207] masked %ne3A_202 {strides = array<i32>} : memref<10304xf32, #tpu.memory_space<vmem>>, vector<16xf32>, vector<16xi1>
        tpu.vector_store %arg23[%swap3A_207], %mul3A_195 masked %ne3A_202 {strides = array<i32>} : memref<10304xf32, #tpu.memory_space<vmem>>, vector<16xf32>, vector<16xi1>
        %convert_element_type3A_209 = arith.extui %ne3A_202 : vector<16xi1> to vector<16xi32>
        %reduce_sum3A_210 = arith.constant true
        %reduce_sum3A_211 = vector.broadcast %reduce_sum3A_210 : i1 to vector<16xi1>
        %reduce_sum3A_212 = tpu.scan <sum>, %convert_element_type3A_209 masked %reduce_sum3A_211 : vector<16xi32>, vector<16xi1> -> vector<16xi32>
        %reduce_sum3A_213 = vector.extract %reduce_sum3A_212[15] : i32 from vector<16xi32>
        %add3A_214 = arith.addi %add3A_182, %reduce_sum3A_213 : i32
        %add3A_215 = arith.constant 48 : i32
        %add3A_216 = arith.addi %mul3A_122, %add3A_215 : i32
        %get3A_217 = arith.index_cast %add3A_216 : i32 to index
        %get3A_218 = tpu.vector_load %arg15[%get3A_217] {strides = array<i32>} : memref<2048xi32, #tpu.memory_space<vmem>>, vector<16xi32>,
        %get3A_219 = arith.index_cast %scan3A_119 : i32 to index
        %get3A_220 = arith.constant 48 : index
        %get3A_221 = tpu.vector_load %arg16[%get3A_219, %get3A_220] {strides = array<i32>} : memref<16x128xi32, #tpu.memory_space<vmem>>, vector<16xi32>,
        %gather3A_222 = tpu.vector_load_idx %arg14[%get3A_218] : memref<10240xf32, #tpu.memory_space<vmem>>[vector<16xi32>], vector<16xf32>,
        %gather3A_223 = tpu.vector_load_idx %arg14[%get3A_221] : memref<10240xf32, #tpu.memory_space<vmem>>[vector<16xi32>], vector<16xf32>,
        %mul3A_224 = arith.mulf %gather3A_222, %gather3A_223 : vector<16xf32>
        %get3A_225 = arith.index_cast %add3A_216 : i32 to index
        %get3A_226 = tpu.vector_load %arg17[%get3A_225] {strides = array<i32>} : memref<2048xf32, #tpu.memory_space<vmem>>, vector<16xf32>,
        %mul3A_227 = arith.mulf %get3A_226, %mul3A_224 : vector<16xf32>
        %swap3A_228 = arith.index_cast %add3A_216 : i32 to index
        %swap3A_229 = tpu.vector_load %arg18[%swap3A_228] {strides = array<i32>} : memref<2048xf32, #tpu.memory_space<vmem>>, vector<16xf32>,
        tpu.vector_store %arg18[%swap3A_228], %mul3A_224 {strides = array<i32>} : memref<2048xf32, #tpu.memory_space<vmem>>, vector<16xf32>,
        %swap3A_230 = arith.index_cast %add3A_216 : i32 to index
        %swap3A_231 = tpu.vector_load %arg19[%swap3A_230] {strides = array<i32>} : memref<2048xf32, #tpu.memory_space<vmem>>, vector<16xf32>,
        tpu.vector_store %arg19[%swap3A_230], %mul3A_227 {strides = array<i32>} : memref<2048xf32, #tpu.memory_space<vmem>>, vector<16xf32>,
        %ne3A_232 = arith.constant 0.000000e+00 : f32
        %ne3A_233 = vector.broadcast %ne3A_232 : f32 to vector<16xf32>
        %ne3A_234 = arith.cmpf one, %mul3A_227, %ne3A_233 : vector<16xf32>
        %swap3A_235 = arith.index_cast %add3A_214 : i32 to index
        %swap3A_236 = tpu.vector_load %arg21[%swap3A_235] masked %ne3A_234 {strides = array<i32>} : memref<10304xi32, #tpu.memory_space<vmem>>, vector<16xi32>, vector<16xi1>
        tpu.vector_store %arg21[%swap3A_235], %get3A_218 masked %ne3A_234 {strides = array<i32>} : memref<10304xi32, #tpu.memory_space<vmem>>, vector<16xi32>, vector<16xi1>
        %swap3A_237 = arith.index_cast %add3A_214 : i32 to index
        %swap3A_238 = tpu.vector_load %arg22[%swap3A_237] masked %ne3A_234 {strides = array<i32>} : memref<10304xi32, #tpu.memory_space<vmem>>, vector<16xi32>, vector<16xi1>
        tpu.vector_store %arg22[%swap3A_237], %get3A_221 masked %ne3A_234 {strides = array<i32>} : memref<10304xi32, #tpu.memory_space<vmem>>, vector<16xi32>, vector<16xi1>
        %swap3A_239 = arith.index_cast %add3A_214 : i32 to index
        %swap3A_240 = tpu.vector_load %arg23[%swap3A_239] masked %ne3A_234 {strides = array<i32>} : memref<10304xf32, #tpu.memory_space<vmem>>, vector<16xf32>, vector<16xi1>
        tpu.vector_store %arg23[%swap3A_239], %mul3A_227 masked %ne3A_234 {strides = array<i32>} : memref<10304xf32, #tpu.memory_space<vmem>>, vector<16xf32>, vector<16xi1>
        %convert_element_type3A_241 = arith.extui %ne3A_234 : vector<16xi1> to vector<16xi32>
        %reduce_sum3A_242 = arith.constant true
        %reduce_sum3A_243 = vector.broadcast %reduce_sum3A_242 : i1 to vector<16xi1>
        %reduce_sum3A_244 = tpu.scan <sum>, %convert_element_type3A_241 masked %reduce_sum3A_243 : vector<16xi32>, vector<16xi1> -> vector<16xi32>
        %reduce_sum3A_245 = vector.extract %reduce_sum3A_244[15] : i32 from vector<16xi32>
        %add3A_246 = arith.addi %add3A_214, %reduce_sum3A_245 : i32
        %add3A_247 = arith.constant 64 : i32
        %add3A_248 = arith.addi %mul3A_122, %add3A_247 : i32
        %get3A_249 = arith.index_cast %add3A_248 : i32 to index
        %get3A_250 = tpu.vector_load %arg15[%get3A_249] {strides = array<i32>} : memref<2048xi32, #tpu.memory_space<vmem>>, vector<16xi32>,
        %get3A_251 = arith.index_cast %scan3A_119 : i32 to index
        %get3A_252 = arith.constant 64 : index
        %get3A_253 = tpu.vector_load %arg16[%get3A_251, %get3A_252] {strides = array<i32>} : memref<16x128xi32, #tpu.memory_space<vmem>>, vector<16xi32>,
        %gather3A_254 = tpu.vector_load_idx %arg14[%get3A_250] : memref<10240xf32, #tpu.memory_space<vmem>>[vector<16xi32>], vector<16xf32>,
        %gather3A_255 = tpu.vector_load_idx %arg14[%get3A_253] : memref<10240xf32, #tpu.memory_space<vmem>>[vector<16xi32>], vector<16xf32>,
        %mul3A_256 = arith.mulf %gather3A_254, %gather3A_255 : vector<16xf32>
        %get3A_257 = arith.index_cast %add3A_248 : i32 to index
        %get3A_258 = tpu.vector_load %arg17[%get3A_257] {strides = array<i32>} : memref<2048xf32, #tpu.memory_space<vmem>>, vector<16xf32>,
        %mul3A_259 = arith.mulf %get3A_258, %mul3A_256 : vector<16xf32>
        %swap3A_260 = arith.index_cast %add3A_248 : i32 to index
        %swap3A_261 = tpu.vector_load %arg18[%swap3A_260] {strides = array<i32>} : memref<2048xf32, #tpu.memory_space<vmem>>, vector<16xf32>,
        tpu.vector_store %arg18[%swap3A_260], %mul3A_256 {strides = array<i32>} : memref<2048xf32, #tpu.memory_space<vmem>>, vector<16xf32>,
        %swap3A_262 = arith.index_cast %add3A_248 : i32 to index
        %swap3A_263 = tpu.vector_load %arg19[%swap3A_262] {strides = array<i32>} : memref<2048xf32, #tpu.memory_space<vmem>>, vector<16xf32>,
        tpu.vector_store %arg19[%swap3A_262], %mul3A_259 {strides = array<i32>} : memref<2048xf32, #tpu.memory_space<vmem>>, vector<16xf32>,
        %ne3A_264 = arith.constant 0.000000e+00 : f32
        %ne3A_265 = vector.broadcast %ne3A_264 : f32 to vector<16xf32>
        %ne3A_266 = arith.cmpf one, %mul3A_259, %ne3A_265 : vector<16xf32>
        %swap3A_267 = arith.index_cast %add3A_246 : i32 to index
        %swap3A_268 = tpu.vector_load %arg21[%swap3A_267] masked %ne3A_266 {strides = array<i32>} : memref<10304xi32, #tpu.memory_space<vmem>>, vector<16xi32>, vector<16xi1>
        tpu.vector_store %arg21[%swap3A_267], %get3A_250 masked %ne3A_266 {strides = array<i32>} : memref<10304xi32, #tpu.memory_space<vmem>>, vector<16xi32>, vector<16xi1>
        %swap3A_269 = arith.index_cast %add3A_246 : i32 to index
        %swap3A_270 = tpu.vector_load %arg22[%swap3A_269] masked %ne3A_266 {strides = array<i32>} : memref<10304xi32, #tpu.memory_space<vmem>>, vector<16xi32>, vector<16xi1>
        tpu.vector_store %arg22[%swap3A_269], %get3A_253 masked %ne3A_266 {strides = array<i32>} : memref<10304xi32, #tpu.memory_space<vmem>>, vector<16xi32>, vector<16xi1>
        %swap3A_271 = arith.index_cast %add3A_246 : i32 to index
        %swap3A_272 = tpu.vector_load %arg23[%swap3A_271] masked %ne3A_266 {strides = array<i32>} : memref<10304xf32, #tpu.memory_space<vmem>>, vector<16xf32>, vector<16xi1>
        tpu.vector_store %arg23[%swap3A_271], %mul3A_259 masked %ne3A_266 {strides = array<i32>} : memref<10304xf32, #tpu.memory_space<vmem>>, vector<16xf32>, vector<16xi1>
        %convert_element_type3A_273 = arith.extui %ne3A_266 : vector<16xi1> to vector<16xi32>
        %reduce_sum3A_274 = arith.constant true
        %reduce_sum3A_275 = vector.broadcast %reduce_sum3A_274 : i1 to vector<16xi1>
        %reduce_sum3A_276 = tpu.scan <sum>, %convert_element_type3A_273 masked %reduce_sum3A_275 : vector<16xi32>, vector<16xi1> -> vector<16xi32>
        %reduce_sum3A_277 = vector.extract %reduce_sum3A_276[15] : i32 from vector<16xi32>
        %add3A_278 = arith.addi %add3A_246, %reduce_sum3A_277 : i32
        %add3A_279 = arith.constant 80 : i32
        %add3A_280 = arith.addi %mul3A_122, %add3A_279 : i32
        %get3A_281 = arith.index_cast %add3A_280 : i32 to index
        %get3A_282 = tpu.vector_load %arg15[%get3A_281] {strides = array<i32>} : memref<2048xi32, #tpu.memory_space<vmem>>, vector<16xi32>,
        %get3A_283 = arith.index_cast %scan3A_119 : i32 to index
        %get3A_284 = arith.constant 80 : index
        %get3A_285 = tpu.vector_load %arg16[%get3A_283, %get3A_284] {strides = array<i32>} : memref<16x128xi32, #tpu.memory_space<vmem>>, vector<16xi32>,
        %gather3A_286 = tpu.vector_load_idx %arg14[%get3A_282] : memref<10240xf32, #tpu.memory_space<vmem>>[vector<16xi32>], vector<16xf32>,
        %gather3A_287 = tpu.vector_load_idx %arg14[%get3A_285] : memref<10240xf32, #tpu.memory_space<vmem>>[vector<16xi32>], vector<16xf32>,
        %mul3A_288 = arith.mulf %gather3A_286, %gather3A_287 : vector<16xf32>
        %get3A_289 = arith.index_cast %add3A_280 : i32 to index
        %get3A_290 = tpu.vector_load %arg17[%get3A_289] {strides = array<i32>} : memref<2048xf32, #tpu.memory_space<vmem>>, vector<16xf32>,
        %mul3A_291 = arith.mulf %get3A_290, %mul3A_288 : vector<16xf32>
        %swap3A_292 = arith.index_cast %add3A_280 : i32 to index
        %swap3A_293 = tpu.vector_load %arg18[%swap3A_292] {strides = array<i32>} : memref<2048xf32, #tpu.memory_space<vmem>>, vector<16xf32>,
        tpu.vector_store %arg18[%swap3A_292], %mul3A_288 {strides = array<i32>} : memref<2048xf32, #tpu.memory_space<vmem>>, vector<16xf32>,
        %swap3A_294 = arith.index_cast %add3A_280 : i32 to index
        %swap3A_295 = tpu.vector_load %arg19[%swap3A_294] {strides = array<i32>} : memref<2048xf32, #tpu.memory_space<vmem>>, vector<16xf32>,
        tpu.vector_store %arg19[%swap3A_294], %mul3A_291 {strides = array<i32>} : memref<2048xf32, #tpu.memory_space<vmem>>, vector<16xf32>,
        %ne3A_296 = arith.constant 0.000000e+00 : f32
        %ne3A_297 = vector.broadcast %ne3A_296 : f32 to vector<16xf32>
        %ne3A_298 = arith.cmpf one, %mul3A_291, %ne3A_297 : vector<16xf32>
        %swap3A_299 = arith.index_cast %add3A_278 : i32 to index
        %swap3A_300 = tpu.vector_load %arg21[%swap3A_299] masked %ne3A_298 {strides = array<i32>} : memref<10304xi32, #tpu.memory_space<vmem>>, vector<16xi32>, vector<16xi1>
        tpu.vector_store %arg21[%swap3A_299], %get3A_282 masked %ne3A_298 {strides = array<i32>} : memref<10304xi32, #tpu.memory_space<vmem>>, vector<16xi32>, vector<16xi1>
        %swap3A_301 = arith.index_cast %add3A_278 : i32 to index
        %swap3A_302 = tpu.vector_load %arg22[%swap3A_301] masked %ne3A_298 {strides = array<i32>} : memref<10304xi32, #tpu.memory_space<vmem>>, vector<16xi32>, vector<16xi1>
        tpu.vector_store %arg22[%swap3A_301], %get3A_285 masked %ne3A_298 {strides = array<i32>} : memref<10304xi32, #tpu.memory_space<vmem>>, vector<16xi32>, vector<16xi1>
        %swap3A_303 = arith.index_cast %add3A_278 : i32 to index
        %swap3A_304 = tpu.vector_load %arg23[%swap3A_303] masked %ne3A_298 {strides = array<i32>} : memref<10304xf32, #tpu.memory_space<vmem>>, vector<16xf32>, vector<16xi1>
        tpu.vector_store %arg23[%swap3A_303], %mul3A_291 masked %ne3A_298 {strides = array<i32>} : memref<10304xf32, #tpu.memory_space<vmem>>, vector<16xf32>, vector<16xi1>
        %convert_element_type3A_305 = arith.extui %ne3A_298 : vector<16xi1> to vector<16xi32>
        %reduce_sum3A_306 = arith.constant true
        %reduce_sum3A_307 = vector.broadcast %reduce_sum3A_306 : i1 to vector<16xi1>
        %reduce_sum3A_308 = tpu.scan <sum>, %convert_element_type3A_305 masked %reduce_sum3A_307 : vector<16xi32>, vector<16xi1> -> vector<16xi32>
        %reduce_sum3A_309 = vector.extract %reduce_sum3A_308[15] : i32 from vector<16xi32>
        %add3A_310 = arith.addi %add3A_278, %reduce_sum3A_309 : i32
        %add3A_311 = arith.constant 96 : i32
        %add3A_312 = arith.addi %mul3A_122, %add3A_311 : i32
        %get3A_313 = arith.index_cast %add3A_312 : i32 to index
        %get3A_314 = tpu.vector_load %arg15[%get3A_313] {strides = array<i32>} : memref<2048xi32, #tpu.memory_space<vmem>>, vector<16xi32>,
        %get3A_315 = arith.index_cast %scan3A_119 : i32 to index
        %get3A_316 = arith.constant 96 : index
        %get3A_317 = tpu.vector_load %arg16[%get3A_315, %get3A_316] {strides = array<i32>} : memref<16x128xi32, #tpu.memory_space<vmem>>, vector<16xi32>,
        %gather3A_318 = tpu.vector_load_idx %arg14[%get3A_314] : memref<10240xf32, #tpu.memory_space<vmem>>[vector<16xi32>], vector<16xf32>,
        %gather3A_319 = tpu.vector_load_idx %arg14[%get3A_317] : memref<10240xf32, #tpu.memory_space<vmem>>[vector<16xi32>], vector<16xf32>,
        %mul3A_320 = arith.mulf %gather3A_318, %gather3A_319 : vector<16xf32>
        %get3A_321 = arith.index_cast %add3A_312 : i32 to index
        %get3A_322 = tpu.vector_load %arg17[%get3A_321] {strides = array<i32>} : memref<2048xf32, #tpu.memory_space<vmem>>, vector<16xf32>,
        %mul3A_323 = arith.mulf %get3A_322, %mul3A_320 : vector<16xf32>
        %swap3A_324 = arith.index_cast %add3A_312 : i32 to index
        %swap3A_325 = tpu.vector_load %arg18[%swap3A_324] {strides = array<i32>} : memref<2048xf32, #tpu.memory_space<vmem>>, vector<16xf32>,
        tpu.vector_store %arg18[%swap3A_324], %mul3A_320 {strides = array<i32>} : memref<2048xf32, #tpu.memory_space<vmem>>, vector<16xf32>,
        %swap3A_326 = arith.index_cast %add3A_312 : i32 to index
        %swap3A_327 = tpu.vector_load %arg19[%swap3A_326] {strides = array<i32>} : memref<2048xf32, #tpu.memory_space<vmem>>, vector<16xf32>,
        tpu.vector_store %arg19[%swap3A_326], %mul3A_323 {strides = array<i32>} : memref<2048xf32, #tpu.memory_space<vmem>>, vector<16xf32>,
        %ne3A_328 = arith.constant 0.000000e+00 : f32
        %ne3A_329 = vector.broadcast %ne3A_328 : f32 to vector<16xf32>
        %ne3A_330 = arith.cmpf one, %mul3A_323, %ne3A_329 : vector<16xf32>
        %swap3A_331 = arith.index_cast %add3A_310 : i32 to index
        %swap3A_332 = tpu.vector_load %arg21[%swap3A_331] masked %ne3A_330 {strides = array<i32>} : memref<10304xi32, #tpu.memory_space<vmem>>, vector<16xi32>, vector<16xi1>
        tpu.vector_store %arg21[%swap3A_331], %get3A_314 masked %ne3A_330 {strides = array<i32>} : memref<10304xi32, #tpu.memory_space<vmem>>, vector<16xi32>, vector<16xi1>
        %swap3A_333 = arith.index_cast %add3A_310 : i32 to index
        %swap3A_334 = tpu.vector_load %arg22[%swap3A_333] masked %ne3A_330 {strides = array<i32>} : memref<10304xi32, #tpu.memory_space<vmem>>, vector<16xi32>, vector<16xi1>
        tpu.vector_store %arg22[%swap3A_333], %get3A_317 masked %ne3A_330 {strides = array<i32>} : memref<10304xi32, #tpu.memory_space<vmem>>, vector<16xi32>, vector<16xi1>
        %swap3A_335 = arith.index_cast %add3A_310 : i32 to index
        %swap3A_336 = tpu.vector_load %arg23[%swap3A_335] masked %ne3A_330 {strides = array<i32>} : memref<10304xf32, #tpu.memory_space<vmem>>, vector<16xf32>, vector<16xi1>
        tpu.vector_store %arg23[%swap3A_335], %mul3A_323 masked %ne3A_330 {strides = array<i32>} : memref<10304xf32, #tpu.memory_space<vmem>>, vector<16xf32>, vector<16xi1>
        %convert_element_type3A_337 = arith.extui %ne3A_330 : vector<16xi1> to vector<16xi32>
        %reduce_sum3A_338 = arith.constant true
        %reduce_sum3A_339 = vector.broadcast %reduce_sum3A_338 : i1 to vector<16xi1>
        %reduce_sum3A_340 = tpu.scan <sum>, %convert_element_type3A_337 masked %reduce_sum3A_339 : vector<16xi32>, vector<16xi1> -> vector<16xi32>
        %reduce_sum3A_341 = vector.extract %reduce_sum3A_340[15] : i32 from vector<16xi32>
        %add3A_342 = arith.addi %add3A_310, %reduce_sum3A_341 : i32
        %add3A_343 = arith.constant 112 : i32
        %add3A_344 = arith.addi %mul3A_122, %add3A_343 : i32
        %get3A_345 = arith.index_cast %add3A_344 : i32 to index
        %get3A_346 = tpu.vector_load %arg15[%get3A_345] {strides = array<i32>} : memref<2048xi32, #tpu.memory_space<vmem>>, vector<16xi32>,
        %get3A_347 = arith.index_cast %scan3A_119 : i32 to index
        %get3A_348 = arith.constant 112 : index
        %get3A_349 = tpu.vector_load %arg16[%get3A_347, %get3A_348] {strides = array<i32>} : memref<16x128xi32, #tpu.memory_space<vmem>>, vector<16xi32>,
        %gather3A_350 = tpu.vector_load_idx %arg14[%get3A_346] : memref<10240xf32, #tpu.memory_space<vmem>>[vector<16xi32>], vector<16xf32>,
        %gather3A_351 = tpu.vector_load_idx %arg14[%get3A_349] : memref<10240xf32, #tpu.memory_space<vmem>>[vector<16xi32>], vector<16xf32>,
        %mul3A_352 = arith.mulf %gather3A_350, %gather3A_351 : vector<16xf32>
        %get3A_353 = arith.index_cast %add3A_344 : i32 to index
        %get3A_354 = tpu.vector_load %arg17[%get3A_353] {strides = array<i32>} : memref<2048xf32, #tpu.memory_space<vmem>>, vector<16xf32>,
        %mul3A_355 = arith.mulf %get3A_354, %mul3A_352 : vector<16xf32>
        %swap3A_356 = arith.index_cast %add3A_344 : i32 to index
        %swap3A_357 = tpu.vector_load %arg18[%swap3A_356] {strides = array<i32>} : memref<2048xf32, #tpu.memory_space<vmem>>, vector<16xf32>,
        tpu.vector_store %arg18[%swap3A_356], %mul3A_352 {strides = array<i32>} : memref<2048xf32, #tpu.memory_space<vmem>>, vector<16xf32>,
        %swap3A_358 = arith.index_cast %add3A_344 : i32 to index
        %swap3A_359 = tpu.vector_load %arg19[%swap3A_358] {strides = array<i32>} : memref<2048xf32, #tpu.memory_space<vmem>>, vector<16xf32>,
        tpu.vector_store %arg19[%swap3A_358], %mul3A_355 {strides = array<i32>} : memref<2048xf32, #tpu.memory_space<vmem>>, vector<16xf32>,
        %ne3A_360 = arith.constant 0.000000e+00 : f32
        %ne3A_361 = vector.broadcast %ne3A_360 : f32 to vector<16xf32>
        %ne3A_362 = arith.cmpf one, %mul3A_355, %ne3A_361 : vector<16xf32>
        %swap3A_363 = arith.index_cast %add3A_342 : i32 to index
        %swap3A_364 = tpu.vector_load %arg21[%swap3A_363] masked %ne3A_362 {strides = array<i32>} : memref<10304xi32, #tpu.memory_space<vmem>>, vector<16xi32>, vector<16xi1>
        tpu.vector_store %arg21[%swap3A_363], %get3A_346 masked %ne3A_362 {strides = array<i32>} : memref<10304xi32, #tpu.memory_space<vmem>>, vector<16xi32>, vector<16xi1>
        %swap3A_365 = arith.index_cast %add3A_342 : i32 to index
        %swap3A_366 = tpu.vector_load %arg22[%swap3A_365] masked %ne3A_362 {strides = array<i32>} : memref<10304xi32, #tpu.memory_space<vmem>>, vector<16xi32>, vector<16xi1>
        tpu.vector_store %arg22[%swap3A_365], %get3A_349 masked %ne3A_362 {strides = array<i32>} : memref<10304xi32, #tpu.memory_space<vmem>>, vector<16xi32>, vector<16xi1>
        %swap3A_367 = arith.index_cast %add3A_342 : i32 to index
        %swap3A_368 = tpu.vector_load %arg23[%swap3A_367] masked %ne3A_362 {strides = array<i32>} : memref<10304xf32, #tpu.memory_space<vmem>>, vector<16xf32>, vector<16xi1>
        tpu.vector_store %arg23[%swap3A_367], %mul3A_355 masked %ne3A_362 {strides = array<i32>} : memref<10304xf32, #tpu.memory_space<vmem>>, vector<16xf32>, vector<16xi1>
        %convert_element_type3A_369 = arith.extui %ne3A_362 : vector<16xi1> to vector<16xi32>
        %reduce_sum3A_370 = arith.constant true
        %reduce_sum3A_371 = vector.broadcast %reduce_sum3A_370 : i1 to vector<16xi1>
        %reduce_sum3A_372 = tpu.scan <sum>, %convert_element_type3A_369 masked %reduce_sum3A_371 : vector<16xi32>, vector<16xi1> -> vector<16xi32>
        %reduce_sum3A_373 = vector.extract %reduce_sum3A_372[15] : i32 from vector<16xi32>
        %add3A_374 = arith.addi %add3A_342, %reduce_sum3A_373 : i32
        %dma_start3A = arith.constant 0 : i32
        %dma_start3A_375 = tpu.memref_slice %arg19[%mul3A_122] : memref<2048xf32, #tpu.memory_space<vmem>> -> memref<128xf32, #tpu.memory_space<vmem>>
        %dma_start3A_376 = arith.constant 0 : i32
        %dma_start3A_377 = tpu.memref_slice %arg16[%scan3A_119, %dma_start3A_376] : memref<16x128xi32, #tpu.memory_space<vmem>> -> memref<1x128xi32, #tpu.memory_space<vmem>>
        %dma_start3A_378 = tpu.memref_squeeze %dma_start3A_377 : memref<1x128xi32, #tpu.memory_space<vmem>> -> memref<128xi32, #tpu.memory_space<vmem>>
        %dma_start3A_379 = arith.constant 0 : i32
        %dma_start3A_380 = tpu.memref_slice %arg26[%dma_start3A_379] : memref<10240xf32, #tpu.memory_space<vmem_shared>> -> memref<10240xf32, #tpu.memory_space<vmem_shared>>
        %dma_start3A_381 = tpu.memref_slice %arg25[%dma_start3A] : memref<2x!tpu.dma_semaphore, #tpu.memory_space<semaphore_mem>> -> memref<1x!tpu.dma_semaphore, #tpu.memory_space<semaphore_mem>>
        %dma_start3A_382 = tpu.memref_squeeze %dma_start3A_381 : memref<1x!tpu.dma_semaphore, #tpu.memory_space<semaphore_mem>> -> memref<!tpu.dma_semaphore, #tpu.memory_space<semaphore_mem>>
        tpu.enqueue_indirect_dma source(%dma_start3A_375 : memref<128xf32, #tpu.memory_space<vmem>>) target(%dma_start3A_380 : memref<10240xf32, #tpu.memory_space<vmem_shared>>) offsets(%dma_start3A_378 : memref<128xi32, #tpu.memory_space<vmem>>) semaphore(%dma_start3A_382 : memref<!tpu.dma_semaphore, #tpu.memory_space<semaphore_mem>>) {add = true}
        %dma_start3A_383 = arith.constant 1 : i32
        %dma_start3A_384 = tpu.memref_slice %arg18[%mul3A_122] : memref<2048xf32, #tpu.memory_space<vmem>> -> memref<128xf32, #tpu.memory_space<vmem>>
        %dma_start3A_385 = arith.constant 0 : i32
        %dma_start3A_386 = tpu.memref_slice %arg16[%scan3A_119, %dma_start3A_385] : memref<16x128xi32, #tpu.memory_space<vmem>> -> memref<1x128xi32, #tpu.memory_space<vmem>>
        %dma_start3A_387 = tpu.memref_squeeze %dma_start3A_386 : memref<1x128xi32, #tpu.memory_space<vmem>> -> memref<128xi32, #tpu.memory_space<vmem>>
        %dma_start3A_388 = arith.constant 0 : i32
        %dma_start3A_389 = tpu.memref_slice %arg27[%dma_start3A_388] : memref<10240xf32, #tpu.memory_space<vmem_shared>> -> memref<10240xf32, #tpu.memory_space<vmem_shared>>
        %dma_start3A_390 = tpu.memref_slice %arg25[%dma_start3A_383] : memref<2x!tpu.dma_semaphore, #tpu.memory_space<semaphore_mem>> -> memref<1x!tpu.dma_semaphore, #tpu.memory_space<semaphore_mem>>
        %dma_start3A_391 = tpu.memref_squeeze %dma_start3A_390 : memref<1x!tpu.dma_semaphore, #tpu.memory_space<semaphore_mem>> -> memref<!tpu.dma_semaphore, #tpu.memory_space<semaphore_mem>>
        tpu.enqueue_indirect_dma source(%dma_start3A_384 : memref<128xf32, #tpu.memory_space<vmem>>) target(%dma_start3A_389 : memref<10240xf32, #tpu.memory_space<vmem_shared>>) offsets(%dma_start3A_387 : memref<128xi32, #tpu.memory_space<vmem>>) semaphore(%dma_start3A_391 : memref<!tpu.dma_semaphore, #tpu.memory_space<semaphore_mem>>) {add = true}
        scf.yield %add3A_374 : i32
      }
      %scan3A_109 = arith.constant 16 : i32
      "tpu.region"() ({
        %run_scoped3A = tpu.sem_alloc : memref<!tpu.dma_semaphore, #tpu.memory_space<semaphore_mem>>
        %dma_start3A = tpu.memref_slice %arg6[%multiple_of3A_78] : memref<327680xf32, #tpu.memory_space<hbm>> -> memref<2048xf32, #tpu.memory_space<hbm>>
        %dma_start3A_119 = tpu.memref_slice %arg6[%multiple_of3A_78] : memref<327680xf32, #tpu.memory_space<hbm>> -> memref<2048xf32, #tpu.memory_space<hbm>>
        tpu.enqueue_dma source(%arg18 : memref<2048xf32, #tpu.memory_space<vmem>>) target(%dma_start3A_119 : memref<2048xf32, #tpu.memory_space<hbm>>) target_semaphore(%run_scoped3A : memref<!tpu.dma_semaphore, #tpu.memory_space<semaphore_mem>>)
        %dma_wait3A_120 = tpu.memref_slice %arg6[%multiple_of3A_78] : memref<327680xf32, #tpu.memory_space<hbm>> -> memref<2048xf32, #tpu.memory_space<hbm>>
        %dma_wait3A_121 = tpu.memref_slice %arg6[%multiple_of3A_78] : memref<327680xf32, #tpu.memory_space<hbm>> -> memref<2048xf32, #tpu.memory_space<hbm>>
        tpu.wait_dma2 semaphore(%run_scoped3A : memref<!tpu.dma_semaphore, #tpu.memory_space<semaphore_mem>>) src(%arg18 : memref<2048xf32, #tpu.memory_space<vmem>>) dst(%dma_wait3A_121 : memref<2048xf32, #tpu.memory_space<hbm>>)
        tpu.yield
      }) : () -> ()
      "tpu.region"() ({
        %run_scoped3A = tpu.sem_alloc : memref<!tpu.dma_semaphore, #tpu.memory_space<semaphore_mem>>
        %dma_start3A = tpu.memref_slice %arg7[%multiple_of3A_78] : memref<327680xf32, #tpu.memory_space<hbm>> -> memref<2048xf32, #tpu.memory_space<hbm>>
        %dma_start3A_119 = tpu.memref_slice %arg7[%multiple_of3A_78] : memref<327680xf32, #tpu.memory_space<hbm>> -> memref<2048xf32, #tpu.memory_space<hbm>>
        tpu.enqueue_dma source(%arg19 : memref<2048xf32, #tpu.memory_space<vmem>>) target(%dma_start3A_119 : memref<2048xf32, #tpu.memory_space<hbm>>) target_semaphore(%run_scoped3A : memref<!tpu.dma_semaphore, #tpu.memory_space<semaphore_mem>>)
        %dma_wait3A_120 = tpu.memref_slice %arg7[%multiple_of3A_78] : memref<327680xf32, #tpu.memory_space<hbm>> -> memref<2048xf32, #tpu.memory_space<hbm>>
        %dma_wait3A_121 = tpu.memref_slice %arg7[%multiple_of3A_78] : memref<327680xf32, #tpu.memory_space<hbm>> -> memref<2048xf32, #tpu.memory_space<hbm>>
        tpu.wait_dma2 semaphore(%run_scoped3A : memref<!tpu.dma_semaphore, #tpu.memory_space<semaphore_mem>>) src(%arg19 : memref<2048xf32, #tpu.memory_space<vmem>>) dst(%dma_wait3A_121 : memref<2048xf32, #tpu.memory_space<hbm>>)
        tpu.yield
      }) : () -> ()
      %dma_wait3A = arith.constant 0 : i32
      %dma_wait3A_110 = tpu.memref_slice %arg7[%multiple_of3A_78] : memref<327680xf32, #tpu.memory_space<hbm>> -> memref<2048xf32, #tpu.memory_space<hbm>>
      %dma_wait3A_111 = tpu.memref_slice %arg25[%dma_wait3A] : memref<2x!tpu.dma_semaphore, #tpu.memory_space<semaphore_mem>> -> memref<1x!tpu.dma_semaphore, #tpu.memory_space<semaphore_mem>>
      %dma_wait3A_112 = tpu.memref_squeeze %dma_wait3A_111 : memref<1x!tpu.dma_semaphore, #tpu.memory_space<semaphore_mem>> -> memref<!tpu.dma_semaphore, #tpu.memory_space<semaphore_mem>>
      %dma_wait3A_113 = tpu.memref_slice %arg7[%multiple_of3A_78] : memref<327680xf32, #tpu.memory_space<hbm>> -> memref<2048xf32, #tpu.memory_space<hbm>>
      tpu.wait_dma2 semaphore(%dma_wait3A_112 : memref<!tpu.dma_semaphore, #tpu.memory_space<semaphore_mem>>) src(%dma_wait3A_113 : memref<2048xf32, #tpu.memory_space<hbm>>) dst(%arg19 : memref<2048xf32, #tpu.memory_space<vmem>>)
      %dma_wait3A_114 = arith.constant 1 : i32
      %dma_wait3A_115 = tpu.memref_slice %arg6[%multiple_of3A_78] : memref<327680xf32, #tpu.memory_space<hbm>> -> memref<2048xf32, #tpu.memory_space<hbm>>
      %dma_wait3A_116 = tpu.memref_slice %arg25[%dma_wait3A_114] : memref<2x!tpu.dma_semaphore, #tpu.memory_space<semaphore_mem>> -> memref<1x!tpu.dma_semaphore, #tpu.memory_space<semaphore_mem>>
      %dma_wait3A_117 = tpu.memref_squeeze %dma_wait3A_116 : memref<1x!tpu.dma_semaphore, #tpu.memory_space<semaphore_mem>> -> memref<!tpu.dma_semaphore, #tpu.memory_space<semaphore_mem>>
      %dma_wait3A_118 = tpu.memref_slice %arg6[%multiple_of3A_78] : memref<327680xf32, #tpu.memory_space<hbm>> -> memref<2048xf32, #tpu.memory_space<hbm>>
      tpu.wait_dma2 semaphore(%dma_wait3A_117 : memref<!tpu.dma_semaphore, #tpu.memory_space<semaphore_mem>>) src(%dma_wait3A_118 : memref<2048xf32, #tpu.memory_space<hbm>>) dst(%arg18 : memref<2048xf32, #tpu.memory_space<vmem>>)
      scf.yield %scan3A_108 : i32
    }
    %scan3A_37 = arith.constant 5 : i32
    %add3A_38 = arith.constant 64 : i32
    %add3A_39 = arith.addi %scan3A_36, %add3A_38 : i32
    %sub3A = arith.constant 1 : i32
    %sub3A_40 = arith.subi %add3A_39, %sub3A : i32
    %jit3A = arith.constant 64 : i32
    %div3A = arith.divsi %sub3A_40, %jit3A : i32
    %sign3A = arith.constant 0 : i32
    %sign3A_41 = arith.cmpi sgt, %sub3A_40, %sign3A : i32
    %sign3A_42 = arith.extui %sign3A_41 : i1 to i32
    %sign3A_43 = arith.constant 0 : i32
    %sign3A_44 = arith.cmpi slt, %sub3A_40, %sign3A_43 : i32
    %sign3A_45 = arith.extui %sign3A_44 : i1 to i32
    %sign3A_46 = arith.subi %sign3A_42, %sign3A_45 : i32
    %sign3A_47 = arith.constant 0 : i32
    %sign3A_48 = arith.cmpi sgt, %jit3A, %sign3A_47 : i32
    %sign3A_49 = arith.extui %sign3A_48 : i1 to i32
    %sign3A_50 = arith.constant 0 : i32
    %sign3A_51 = arith.cmpi slt, %jit3A, %sign3A_50 : i32
    %sign3A_52 = arith.extui %sign3A_51 : i1 to i32
    %sign3A_53 = arith.subi %sign3A_49, %sign3A_52 : i32
    %ne3A = arith.cmpi ne, %sign3A_46, %sign3A_53 : i32
    %rem3A_54 = arith.remsi %sub3A_40, %jit3A : i32
    %ne3A_55 = arith.constant 0 : i32
    %ne3A_56 = arith.cmpi ne, %rem3A_54, %ne3A_55 : i32
    %and3A = arith.andi %ne3A, %ne3A_56 : i1
    %sub3A_57 = arith.constant 1 : i32
    %sub3A_58 = arith.subi %div3A, %sub3A_57 : i32
    %select_n3A = arith.select %and3A, %sub3A_58, %div3A : i32
    %mul3A_59 = arith.constant 64 : i32
    %mul3A_60 = arith.muli %select_n3A, %mul3A_59 : i32
    %broadcast_in_dim3A_61 = vector.broadcast %mul3A_60 : i32 to vector<16xi32>
    %swap3A = arith.constant 0 : index
    %swap3A_62 = tpu.vector_load %arg24[%swap3A] {strides = array<i32>} : memref<16xi32, #tpu.memory_space<vmem>>, vector<16xi32>,
    tpu.vector_store %arg24[%swap3A], %broadcast_in_dim3A_61 {strides = array<i32>} : memref<16xi32, #tpu.memory_space<vmem>>, vector<16xi32>,
    %mul3A_63 = arith.constant 16 : i32
    %mul3A_64 = arith.muli %arg0, %mul3A_63 : i32
    %add3A_65 = arith.addi %mul3A_64, %arg1 : i32
    %mul3A_66 = arith.constant 10240 : i32
    %mul3A_67 = arith.muli %add3A_65, %mul3A_66 : i32
    %multiple_of3A_68 = tpu.assume_multiple %mul3A_67, 10240 : i32
    "tpu.region"() ({
      %run_scoped3A = tpu.sem_alloc : memref<!tpu.dma_semaphore, #tpu.memory_space<semaphore_mem>>
      %dma_start3A = arith.constant 0 : i32
      %dma_start3A_73 = tpu.memref_slice %arg21[%dma_start3A] : memref<10304xi32, #tpu.memory_space<vmem>> -> memref<10240xi32, #tpu.memory_space<vmem>>
      %dma_start3A_74 = tpu.memref_slice %arg10[%multiple_of3A_68] : memref<327680xi32, #tpu.memory_space<hbm>> -> memref<10240xi32, #tpu.memory_space<hbm>>
      %dma_start3A_75 = tpu.memref_slice %arg10[%multiple_of3A_68] : memref<327680xi32, #tpu.memory_space<hbm>> -> memref<10240xi32, #tpu.memory_space<hbm>>
      %dma_start3A_76 = arith.constant 0 : i32
      %dma_start3A_77 = tpu.memref_slice %arg21[%dma_start3A_76] : memref<10304xi32, #tpu.memory_space<vmem>> -> memref<10240xi32, #tpu.memory_space<vmem>>
      tpu.enqueue_dma source(%dma_start3A_77 : memref<10240xi32, #tpu.memory_space<vmem>>) target(%dma_start3A_75 : memref<10240xi32, #tpu.memory_space<hbm>>) target_semaphore(%run_scoped3A : memref<!tpu.dma_semaphore, #tpu.memory_space<semaphore_mem>>)
      %dma_wait3A = arith.constant 0 : i32
      %dma_wait3A_78 = tpu.memref_slice %arg21[%dma_wait3A] : memref<10304xi32, #tpu.memory_space<vmem>> -> memref<10240xi32, #tpu.memory_space<vmem>>
      %dma_wait3A_79 = tpu.memref_slice %arg10[%multiple_of3A_68] : memref<327680xi32, #tpu.memory_space<hbm>> -> memref<10240xi32, #tpu.memory_space<hbm>>
      %dma_wait3A_80 = tpu.memref_slice %arg10[%multiple_of3A_68] : memref<327680xi32, #tpu.memory_space<hbm>> -> memref<10240xi32, #tpu.memory_space<hbm>>
      %dma_wait3A_81 = arith.constant 0 : i32
      %dma_wait3A_82 = tpu.memref_slice %arg21[%dma_wait3A_81] : memref<10304xi32, #tpu.memory_space<vmem>> -> memref<10240xi32, #tpu.memory_space<vmem>>
      tpu.wait_dma2 semaphore(%run_scoped3A : memref<!tpu.dma_semaphore, #tpu.memory_space<semaphore_mem>>) src(%dma_wait3A_82 : memref<10240xi32, #tpu.memory_space<vmem>>) dst(%dma_wait3A_80 : memref<10240xi32, #tpu.memory_space<hbm>>)
      tpu.yield
    }) : () -> ()
    "tpu.region"() ({
      %run_scoped3A = tpu.sem_alloc : memref<!tpu.dma_semaphore, #tpu.memory_space<semaphore_mem>>
      %dma_start3A = arith.constant 0 : i32
      %dma_start3A_73 = tpu.memref_slice %arg22[%dma_start3A] : memref<10304xi32, #tpu.memory_space<vmem>> -> memref<10240xi32, #tpu.memory_space<vmem>>
      %dma_start3A_74 = tpu.memref_slice %arg11[%multiple_of3A_68] : memref<327680xi32, #tpu.memory_space<hbm>> -> memref<10240xi32, #tpu.memory_space<hbm>>
      %dma_start3A_75 = tpu.memref_slice %arg11[%multiple_of3A_68] : memref<327680xi32, #tpu.memory_space<hbm>> -> memref<10240xi32, #tpu.memory_space<hbm>>
      %dma_start3A_76 = arith.constant 0 : i32
      %dma_start3A_77 = tpu.memref_slice %arg22[%dma_start3A_76] : memref<10304xi32, #tpu.memory_space<vmem>> -> memref<10240xi32, #tpu.memory_space<vmem>>
      tpu.enqueue_dma source(%dma_start3A_77 : memref<10240xi32, #tpu.memory_space<vmem>>) target(%dma_start3A_75 : memref<10240xi32, #tpu.memory_space<hbm>>) target_semaphore(%run_scoped3A : memref<!tpu.dma_semaphore, #tpu.memory_space<semaphore_mem>>)
      %dma_wait3A = arith.constant 0 : i32
      %dma_wait3A_78 = tpu.memref_slice %arg22[%dma_wait3A] : memref<10304xi32, #tpu.memory_space<vmem>> -> memref<10240xi32, #tpu.memory_space<vmem>>
      %dma_wait3A_79 = tpu.memref_slice %arg11[%multiple_of3A_68] : memref<327680xi32, #tpu.memory_space<hbm>> -> memref<10240xi32, #tpu.memory_space<hbm>>
      %dma_wait3A_80 = tpu.memref_slice %arg11[%multiple_of3A_68] : memref<327680xi32, #tpu.memory_space<hbm>> -> memref<10240xi32, #tpu.memory_space<hbm>>
      %dma_wait3A_81 = arith.constant 0 : i32
      %dma_wait3A_82 = tpu.memref_slice %arg22[%dma_wait3A_81] : memref<10304xi32, #tpu.memory_space<vmem>> -> memref<10240xi32, #tpu.memory_space<vmem>>
      tpu.wait_dma2 semaphore(%run_scoped3A : memref<!tpu.dma_semaphore, #tpu.memory_space<semaphore_mem>>) src(%dma_wait3A_82 : memref<10240xi32, #tpu.memory_space<vmem>>) dst(%dma_wait3A_80 : memref<10240xi32, #tpu.memory_space<hbm>>)
      tpu.yield
    }) : () -> ()
    "tpu.region"() ({
      %run_scoped3A = tpu.sem_alloc : memref<!tpu.dma_semaphore, #tpu.memory_space<semaphore_mem>>
      %dma_start3A = arith.constant 0 : i32
      %dma_start3A_73 = tpu.memref_slice %arg23[%dma_start3A] : memref<10304xf32, #tpu.memory_space<vmem>> -> memref<10240xf32, #tpu.memory_space<vmem>>
      %dma_start3A_74 = tpu.memref_slice %arg12[%multiple_of3A_68] : memref<327680xf32, #tpu.memory_space<hbm>> -> memref<10240xf32, #tpu.memory_space<hbm>>
      %dma_start3A_75 = tpu.memref_slice %arg12[%multiple_of3A_68] : memref<327680xf32, #tpu.memory_space<hbm>> -> memref<10240xf32, #tpu.memory_space<hbm>>
      %dma_start3A_76 = arith.constant 0 : i32
      %dma_start3A_77 = tpu.memref_slice %arg23[%dma_start3A_76] : memref<10304xf32, #tpu.memory_space<vmem>> -> memref<10240xf32, #tpu.memory_space<vmem>>
      tpu.enqueue_dma source(%dma_start3A_77 : memref<10240xf32, #tpu.memory_space<vmem>>) target(%dma_start3A_75 : memref<10240xf32, #tpu.memory_space<hbm>>) target_semaphore(%run_scoped3A : memref<!tpu.dma_semaphore, #tpu.memory_space<semaphore_mem>>)
      %dma_wait3A = arith.constant 0 : i32
      %dma_wait3A_78 = tpu.memref_slice %arg23[%dma_wait3A] : memref<10304xf32, #tpu.memory_space<vmem>> -> memref<10240xf32, #tpu.memory_space<vmem>>
      %dma_wait3A_79 = tpu.memref_slice %arg12[%multiple_of3A_68] : memref<327680xf32, #tpu.memory_space<hbm>> -> memref<10240xf32, #tpu.memory_space<hbm>>
      %dma_wait3A_80 = tpu.memref_slice %arg12[%multiple_of3A_68] : memref<327680xf32, #tpu.memory_space<hbm>> -> memref<10240xf32, #tpu.memory_space<hbm>>
      %dma_wait3A_81 = arith.constant 0 : i32
      %dma_wait3A_82 = tpu.memref_slice %arg23[%dma_wait3A_81] : memref<10304xf32, #tpu.memory_space<vmem>> -> memref<10240xf32, #tpu.memory_space<vmem>>
      tpu.wait_dma2 semaphore(%run_scoped3A : memref<!tpu.dma_semaphore, #tpu.memory_space<semaphore_mem>>) src(%dma_wait3A_82 : memref<10240xf32, #tpu.memory_space<vmem>>) dst(%dma_wait3A_80 : memref<10240xf32, #tpu.memory_space<hbm>>)
      tpu.yield
    }) : () -> ()
    %mul3A_69 = arith.constant 16 : i32
    %mul3A_70 = arith.muli %arg0, %mul3A_69 : i32
    %add3A_71 = arith.addi %mul3A_70, %arg1 : i32
    "tpu.region"() ({
      %run_scoped3A = tpu.sem_alloc : memref<!tpu.dma_semaphore, #tpu.memory_space<semaphore_mem>>
      %dma_start3A = arith.constant 0 : i32
      %dma_start3A_73 = tpu.memref_slice %arg13[%add3A_71, %dma_start3A] : memref<32x16xi32, #tpu.memory_space<hbm>> -> memref<1x16xi32, #tpu.memory_space<hbm>>
      %dma_start3A_74 = tpu.memref_squeeze %dma_start3A_73 : memref<1x16xi32, #tpu.memory_space<hbm>> -> memref<16xi32, #tpu.memory_space<hbm>>
      %dma_start3A_75 = arith.constant 0 : i32
      %dma_start3A_76 = tpu.memref_slice %arg13[%add3A_71, %dma_start3A_75] : memref<32x16xi32, #tpu.memory_space<hbm>> -> memref<1x16xi32, #tpu.memory_space<hbm>>
      %dma_start3A_77 = tpu.memref_squeeze %dma_start3A_76 : memref<1x16xi32, #tpu.memory_space<hbm>> -> memref<16xi32, #tpu.memory_space<hbm>>
      tpu.enqueue_dma source(%arg24 : memref<16xi32, #tpu.memory_space<vmem>>) target(%dma_start3A_77 : memref<16xi32, #tpu.memory_space<hbm>>) target_semaphore(%run_scoped3A : memref<!tpu.dma_semaphore, #tpu.memory_space<semaphore_mem>>)
      %dma_wait3A = arith.constant 0 : i32
      %dma_wait3A_78 = tpu.memref_slice %arg13[%add3A_71, %dma_wait3A] : memref<32x16xi32, #tpu.memory_space<hbm>> -> memref<1x16xi32, #tpu.memory_space<hbm>>
      %dma_wait3A_79 = tpu.memref_squeeze %dma_wait3A_78 : memref<1x16xi32, #tpu.memory_space<hbm>> -> memref<16xi32, #tpu.memory_space<hbm>>
      %dma_wait3A_80 = arith.constant 0 : i32
      %dma_wait3A_81 = tpu.memref_slice %arg13[%add3A_71, %dma_wait3A_80] : memref<32x16xi32, #tpu.memory_space<hbm>> -> memref<1x16xi32, #tpu.memory_space<hbm>>
      %dma_wait3A_82 = tpu.memref_squeeze %dma_wait3A_81 : memref<1x16xi32, #tpu.memory_space<hbm>> -> memref<16xi32, #tpu.memory_space<hbm>>
      tpu.wait_dma2 semaphore(%run_scoped3A : memref<!tpu.dma_semaphore, #tpu.memory_space<semaphore_mem>>) src(%arg24 : memref<16xi32, #tpu.memory_space<vmem>>) dst(%dma_wait3A_82 : memref<16xi32, #tpu.memory_space<hbm>>)
      tpu.yield
    }) : () -> ()
    %barrier3A_72 = arith.constant 0 : index
    tpu.barrier barrier_id(%barrier3A_72)
    "tpu.region"() ({
      %run_scoped3A = tpu.sem_alloc : memref<!tpu.dma_semaphore, #tpu.memory_space<semaphore_mem>>
      %dma_start3A = tpu.memref_slice %arg8[%arg0, %multiple_of3A] : memref<2x10240xf32, #tpu.memory_space<hbm>> -> memref<1x640xf32, #tpu.memory_space<hbm>>
      %dma_start3A_73 = tpu.memref_squeeze %dma_start3A : memref<1x640xf32, #tpu.memory_space<hbm>> -> memref<640xf32, #tpu.memory_space<hbm>>
      %dma_start3A_74 = tpu.memref_slice %arg26[%multiple_of3A] : memref<10240xf32, #tpu.memory_space<vmem_shared>> -> memref<640xf32, #tpu.memory_space<vmem_shared>>
      tpu.enqueue_dma source(%dma_start3A_74 : memref<640xf32, #tpu.memory_space<vmem_shared>>) target(%dma_start3A_73 : memref<640xf32, #tpu.memory_space<hbm>>) target_semaphore(%run_scoped3A : memref<!tpu.dma_semaphore, #tpu.memory_space<semaphore_mem>>)
      %dma_wait3A = tpu.memref_slice %arg8[%arg0, %multiple_of3A] : memref<2x10240xf32, #tpu.memory_space<hbm>> -> memref<1x640xf32, #tpu.memory_space<hbm>>
      %dma_wait3A_75 = tpu.memref_squeeze %dma_wait3A : memref<1x640xf32, #tpu.memory_space<hbm>> -> memref<640xf32, #tpu.memory_space<hbm>>
      %dma_wait3A_76 = tpu.memref_slice %arg26[%multiple_of3A] : memref<10240xf32, #tpu.memory_space<vmem_shared>> -> memref<640xf32, #tpu.memory_space<vmem_shared>>
      tpu.wait_dma2 semaphore(%run_scoped3A : memref<!tpu.dma_semaphore, #tpu.memory_space<semaphore_mem>>) src(%dma_wait3A_76 : memref<640xf32, #tpu.memory_space<vmem_shared>>) dst(%dma_wait3A_75 : memref<640xf32, #tpu.memory_space<hbm>>)
      tpu.yield
    }) : () -> ()
    "tpu.region"() ({
      %run_scoped3A = tpu.sem_alloc : memref<!tpu.dma_semaphore, #tpu.memory_space<semaphore_mem>>
      %dma_start3A = tpu.memref_slice %arg9[%arg0, %multiple_of3A] : memref<2x10240xf32, #tpu.memory_space<hbm>> -> memref<1x640xf32, #tpu.memory_space<hbm>>
      %dma_start3A_73 = tpu.memref_squeeze %dma_start3A : memref<1x640xf32, #tpu.memory_space<hbm>> -> memref<640xf32, #tpu.memory_space<hbm>>
      %dma_start3A_74 = tpu.memref_slice %arg27[%multiple_of3A] : memref<10240xf32, #tpu.memory_space<vmem_shared>> -> memref<640xf32, #tpu.memory_space<vmem_shared>>
      tpu.enqueue_dma source(%dma_start3A_74 : memref<640xf32, #tpu.memory_space<vmem_shared>>) target(%dma_start3A_73 : memref<640xf32, #tpu.memory_space<hbm>>) target_semaphore(%run_scoped3A : memref<!tpu.dma_semaphore, #tpu.memory_space<semaphore_mem>>)
      %dma_wait3A = tpu.memref_slice %arg9[%arg0, %multiple_of3A] : memref<2x10240xf32, #tpu.memory_space<hbm>> -> memref<1x640xf32, #tpu.memory_space<hbm>>
      %dma_wait3A_75 = tpu.memref_squeeze %dma_wait3A : memref<1x640xf32, #tpu.memory_space<hbm>> -> memref<640xf32, #tpu.memory_space<hbm>>
      %dma_wait3A_76 = tpu.memref_slice %arg27[%multiple_of3A] : memref<10240xf32, #tpu.memory_space<vmem_shared>> -> memref<640xf32, #tpu.memory_space<vmem_shared>>
      tpu.wait_dma2 semaphore(%run_scoped3A : memref<!tpu.dma_semaphore, #tpu.memory_space<semaphore_mem>>) src(%dma_wait3A_76 : memref<640xf32, #tpu.memory_space<vmem_shared>>) dst(%dma_wait3A_75 : memref<640xf32, #tpu.memory_space<hbm>>)
      tpu.yield
    }) : () -> ()
    return
  }
}

</mosaic_0001>

<sc_bundles>
// kernel: _edge_pass.3.cloned.1.call-start
scs
__scs_entry_jumppad:
0x0: {  	(pc) =	sbr.rel $0x88, $3  }
0x1: {  	(tag) =	ssettag $0x0;
	lr =	simm.s32 $0x1  }
0x2: {  	[smem:$0x3F9D] =	sst lr;
	_ =	strace $0xD0000000  }
0x3: {  	_ = 	snop  }
0x4: {  	_ = 	snop  }
0x5: {  	_ = 	snop  }
0x6: {  	_ = 	snop  }
0x7: {  	_ = 	snop  }
__scs_overlays_trampoline_lowered:
0x8: {  	[smem:$0x3FAC] =	sst s0  }
0x9: {  	[smem:$0x3FAD] =	sst s1  }
0xa: {  	[smem:$0x3FAE] =	sst s2  }
0xb: {  	[smem:$0x3FAF] =	sst s3  }
0xc: {  	[smem:$0x3FB0] =	sst s4  }
0xd: {  	[smem:$0x3FB1] =	sst s5  }
0xe: {  	[smem:$0x3FB2] =	sst s6  }
0xf: {  	[smem:$0x3FB3] =	sst s7  }
0x10: {  	[smem:$0x3FB4] =	sst s8  }
0x11: {  	[smem:$0x3FB5] =	sst s9;
	s0 =	simm.s32 @!p0 $0x0  }
0x12: {  	s1 =	sld [smem:$0x3F9B];
	s0 =	simm.s32 @p0 $0x1  }
0x13: {  	[smem:$0x3FB6] =	sst s0;
	s0 =	simm.s32 @!p1 $0x0  }
0x14: {  	s2 =	sld [smem:$0x3F9A];
	s0 =	simm.s32 @p1 $0x1  }
0x15: {  	[smem:$0x3FB7] =	sst s0;
	s0 =	simm.s32 @!p2 $0x0  }
0x16: {  	s3 =	sld [smem:$0x3FDB];
	s0 =	simm.s32 @p2 $0x1  }
0x17: {  	s4 =	simm.s32 $0x1BF5;
	[smem:$0x3FB9] =	sst s0  }
0x18: {  	s0 =	sld [smem:$0x3F9C];
	_ =	swait.ge [sflag:s4], $0x0  }
0x19: {  	s7 =	sld [smem:$0x3F9D]  }
0x1a: {  	s8 =	sadd.s32 $0xFFFFE003, lr  }
0x1b: {  	s9 =	sadd.s32 $0xFFFFFEF7, lr;
	s5 =	simm.s32 $0xFFFFFFFF;
	p2 =	slt.u32 s8, $0xFFFFF086  }
0x1c: {  	p1 =	slt.u32 s9, $0xF7A;
	s5 =	simm.s32 @!p2 $0x0  }
0x1d: {  	s5 =	simm.s32 @p1 $0x1;
	p0 =	seq.s32 s7, s2  }
0x1e: {  	s7 =	smul.u32 @!p0 $0xF7A, s2;
	p2 =	seq.s32 @!p0 s5, $0x0  }
0x1f: {  	s9 =	smul.u32 $0xF7A, s1;
	s8 =	simm.s32 @!p0 $0x1BF5;
	p2 =	por !p2, p0  }
0x20: {  	[sflag:s8] =	ssyncset.s32 @!p0 $0xFFFFF086;
	s6 =	sadd.s32 @!p0 s3, s7;
	s7 =	simm.s32 @!p0 $0x108  }
0x21: {  	s3 =	sadd.s32 s3, s9;
	s6 =	sadd.s32 @!p0 $0x88, s6;
	s7 =	simm.s32 @p2 $0x1082  }
0x22: {  	[simem:s7], [sflag:s8] =	dma.local @!p0 [hbm:s6], $0xF7A  }
0x23: {  	s9 =	sor.u32 $0xD0000000, s2;
	s6 =	simm.s32 $0x108;
	_ =	swait.ge @!p0 [sflag:s8], $0x0  }
0x24: {  	s3 =	sadd.s32 $0x88, s3;
	s6 =	simm.s32 @!p1 $0x1082;
	[sflag:s4] =	ssyncset.s32 $0xFFFFF086  }
0x25: {  	[simem:s6], [sflag:s4] =	dma.local [hbm:s3], $0xF7A  }
0x26: {  	[smem:$0x3F9D] =	sst s1;
	(tag) =	ssettag s2;
	_ =	strace s9  }
0x27: {  	s1 =	sld [smem:$0x3FAD]  }
0x28: {  	s2 =	sld [smem:$0x3FAE]  }
0x29: {  	s4 =	sld [smem:$0x3FB0]  }
0x2a: {  	p0 =	seq.s32 s5, $0x0;
	s5 =	sld [smem:$0x3FB1]  }
0x2b: {  	s6 =	sld [smem:$0x3FB2]  }
0x2c: {  	s7 =	sld [smem:$0x3FB3]  }
0x2d: {  	s3 =	simm.s32 $0x108;
	s8 =	sld [smem:$0x3FB4]  }
0x2e: {  	s3 =	simm.s32 @!p0 $0x1082;
	s9 =	sld [smem:$0x3FB5]  }
0x2f: {  	lr =	sadd.s32 s0, s3;
	s0 =	sld [smem:$0x3FAC]  }
0x30: {  	s3 =	sld [smem:$0x3FAF]  }
0x31: {  	[smem:$0x3FB8] =	sst s10  }
0x32: {  	s10 =	sld [smem:$0x3FB6];
	_ =	sdelay $0x3  }
0x33: {  	p0 =	seq.s32 s10, $0x1;
	s10 =	sld [smem:$0x3FB8];
	_ =	sdelay $0x3  }
0x34: {  	[smem:$0x3FB8] =	sst s10  }
0x35: {  	s10 =	sld [smem:$0x3FB7];
	_ =	sdelay $0x3  }
0x36: {  	p1 =	seq.s32 s10, $0x1;
	s10 =	sld [smem:$0x3FB8];
	_ =	sdelay $0x3  }
0x37: {  	[smem:$0x3FB8] =	sst s10  }
0x38: {  	s10 =	sld [smem:$0x3FB9]  }
0x39: {  	_ = 	snop;
	(pc) =	sbr.ind lr, $3  }
0x3a: {  	_ = 	snop  }
0x3b: {  	_ = 	snop  }
0x3c: {  	p2 =	seq.s32 s10, $0x1;
	s10 =	sld [smem:$0x3FB8]  }
0x3d: {  	_ =	shalt  }
0x3e: {  	_ =	shalt  }
0x3f: {  	_ =	shalt  }
0x40: {  	_ =	shalt  }
0x41: {  	_ =	shalt  }
0x42: {  	_ =	shalt  }
0x43: {  	_ =	shalt  }
0x44: {  	_ =	shalt  }
0x45: {  	_ =	shalt  }
0x46: {  	_ =	shalt  }
0x47: {  	_ =	shalt  }
0x48: {  	_ =	shalt  }
0x49: {  	_ =	shalt  }
0x4a: {  	_ =	shalt  }
0x4b: {  	_ =	shalt  }
0x4c: {  	_ =	shalt  }
0x4d: {  	_ =	shalt  }
0x4e: {  	_ =	shalt  }
0x4f: {  	_ =	shalt  }
0x50: {  	_ =	shalt  }
0x51: {  	_ =	shalt  }
0x52: {  	_ =	shalt  }
0x53: {  	_ =	shalt  }
0x54: {  	_ =	shalt  }
0x55: {  	_ =	shalt  }
0x56: {  	_ =	shalt  }
0x57: {  	_ =	shalt  }
0x58: {  	_ =	shalt  }
0x59: {  	_ =	shalt  }
0x5a: {  	_ =	shalt  }
0x5b: {  	_ =	shalt  }
0x5c: {  	_ =	shalt  }
0x5d: {  	_ =	shalt  }
0x5e: {  	_ =	shalt  }
0x5f: {  	_ =	shalt  }
0x60: {  	_ =	shalt  }
0x61: {  	_ =	shalt  }
0x62: {  	_ =	shalt  }
0x63: {  	_ =	shalt  }
0x64: {  	_ =	shalt  }
0x65: {  	_ =	shalt  }
0x66: {  	_ =	shalt  }
0x67: {  	_ =	shalt  }
0x68: {  	_ =	shalt  }
0x69: {  	_ =	shalt  }
0x6a: {  	_ =	shalt  }
0x6b: {  	_ =	shalt  }
0x6c: {  	_ =	shalt  }
0x6d: {  	_ =	shalt  }
0x6e: {  	_ =	shalt  }
0x6f: {  	_ =	shalt  }
0x70: {  	_ =	shalt  }
0x71: {  	_ =	shalt  }
0x72: {  	_ =	shalt  }
0x73: {  	_ =	shalt  }
0x74: {  	_ =	shalt  }
0x75: {  	_ =	shalt  }
0x76: {  	_ =	shalt  }
0x77: {  	_ =	shalt  }
0x78: {  	_ =	shalt  }
0x79: {  	_ =	shalt  }
0x7a: {  	_ =	shalt  }
0x7b: {  	_ =	shalt  }
0x7c: {  	_ =	shalt  }
0x7d: {  	_ =	shalt  }
0x7e: {  	_ =	shalt  }
0x7f: {  	_ =	shalt  }
0x80: {  	_ =	shalt  }
0x81: {  	_ =	shalt  }
0x82: {  	_ =	shalt  }
0x83: {  	_ =	shalt  }
0x84: {  	_ =	shalt  }
0x85: {  	_ =	shalt  }
0x86: {  	_ =	shalt  }
0x87: {  	_ =	shalt  }
.Lfunc_end0:
.L_simem_size_0:
called_computation_lowered:
.L_overlay_start_0:
0x88: {  	s2 =	sld [smem:$0x3FD9]  }
0x89: {  	s3 =	sld [smem:$0x3FFE];
	_ =	sdelay $0x1  }
0x8a: {  	s1 =	srdreg.scid  }
0x8b: {  	s0 =	sand.u32 $0x1, s1  }
0x8c: {  	s26 =	sshll.u32 s0, $0xA;
	s2 =	sadd.s32 s3, s2  }
0x8d: {  	s2 =	sadd.s32 s2, s26  }
0x8e: {  	[smem:$0x3FC4] =	sst s2  }
0x8f: {  	_ = 	snop  }
0x90: {  	s2 =	sld [smem:$0x3FC9]  }
0x91: {  	s6 =	sld [smem:$0x3FD0]  }
0x92: {  	s3 =	sld [smem:$0x3FC8]  }
0x93: {  	s4 =	sld [smem:$0x3FC7]  }
0x94: {  	s12 =	simm.s32 $0xA;
	s7 =	simm.s32 $0x10;
	s5 =	sld [smem:$0x3FC6]  }
0x95: {  	[smem:s7], [sflag:s12] =	dma.local [hbm:s6], $0x1  }
0x96: {  	_ =	swait.eq [sflag:s12], $0x1  }
0x97: {  	s6 =	sld [smem:$0x10]  }
0x98: {  	s7 =	sld [smem:$0x11]  }
0x99: {  	s8 =	sld [smem:$0x12]  }
0x9a: {  	s9 =	sld [smem:$0x13]  }
0x9b: {  	s10 =	sld [smem:$0x14];
	[sflag:s12] =	ssyncset.done $0x0  }
0x9c: {  	s11 =	sld [smem:$0x15];
	[sflag:s12] =	ssyncadd.s32 $0xFFFFFFFF  }
0x9d: {  	s12 =	sld [smem:$0x16];
	(tm) =	ssettm $0x1  }
0x9e: {  	s13 =	sld [smem:$0x3FFB];
	_ =	sdelay $0x3  }
0x9f: {  	_ =	strace s13  }
0xa0: {  	s13 =	sld [smem:$0x3FFC];
	_ =	sdelay $0x3  }
0xa1: {  	_ =	strace s13  }
0xa2: {  	s13 =	sld [smem:$0x3FFD];
	_ =	sdelay $0x3  }
0xa3: {  	_ =	strace s13  }
0xa4: {  	_ =	strace $0x8FFFFFFF  }
0xa5: {  	s28 =	sld [smem:$0x3FDB];
	_ =	sdelay $0x1  }
0xa6: {  	s14 =	simm.s32 $_scs_section_size  }
0xa7: {  	s15 =	simm.s32 $_size__tile_task_arg_handler_lowered;
	s16 =	simm.s32 $_tile_task_arg_handler_lowered  }
0xa8: {  	s31 =	simm.s32 $0x1BFF;
	s30 =	sshll.u32 s16, $0x1;
	s14 =	sadd.s32 s14, s28  }
0xa9: {  	s17 =	simm.s32 $0x60;
	s29 =	sshll.u32 s15, $0x1;
	s15 =	sadd.s32 s30, s14  }
0xaa: {  	[timem:s17], [sflag:s31] =	dma.local [hbm:s15], s29  }
0xab: {  	_ =	swait.ge [sflag:s31], s29  }
0xac: {  	s18 =	simm.s32 $_tile_overlayer_lowered;
	s13 =	ssub.s32 $0x0, s29;
	[sflag:s31] =	ssyncset.done $0x0  }
0xad: {  	s19 =	simm.s32 $_size__tile_overlayer_lowered;
	s15 =	sshll.u32 s18, $0x1;
	[sflag:s31] =	ssyncadd.s32 s13  }
0xae: {  	s21 =	simm.s32 $0x0;
	s20 =	sshll.u32 s19, $0x1;
	s15 =	sadd.s32 s15, s14  }
0xaf: {  	[timem:s21], [sflag:s31] =	dma.local [hbm:s15], s20  }
0xb0: {  	_ =	swait.ge [sflag:s31], s20  }
0xb1: {  	s22 =	ssub.s32 $0x0, s20;
	[sflag:s31] =	ssyncset.done $0x0  }
0xb2: {  	[sflag:s31] =	ssyncadd.s32 s22;
	_ =	sdelay $0x1  }
0xb3: {  	s23 =	simm.s32 $0x1B8B  }
0xb4: {  	_ =	swait.ge [sflag:s23], $0x1  }
0xb5: {  	[sflag:s23] =	ssyncset.done $0x0  }
0xb6: {  	s25 =	simm.s32 $0x1B8E;
	s24 =	sld [smem:$0x3FFE];
	[sflag:s23] =	ssyncadd.s32 $0xFFFFFFFF  }
0xb7: {  	s26 =	simm.s32 $execute0_lowered;
	[smem:$0x3FD2] =	sst s25  }
0xb8: {  	s16 =	sshll.u32 s26, $0x1;
	_ =	strace $0x80000046;
	[dreg:$0x1] =	wrdreg $0xFFFFFFFF  }
0xb9: {  	s28 =	simm.s32 $_size_execute0_lowered;
	s14 =	sadd.s32 s14, s16;
	[dreg:$0x0] =	wrdreg $0x0  }
0xba: {  	s16 =	sshll.u32 s28, $0x1;
	[dreg:$0x2] =	wrdreg s14  }
0xbb: {  	[dreg:$0x3] =	wrdreg s16  }
0xbc: {  	[dreg:$0x4] =	wrdreg $0xC0  }
0xbd: {  	_ =	task [dreg:s21], $0x5FFFF  }
0xbe: {  	[dreg:$0x1] =	wrdreg $0xFFFFFFFF  }
0xbf: {  	[dreg:$0x0] =	wrdreg $0x30  }
0xc0: {  	[dreg:$0x2] =	wrdreg $0x0  }
0xc1: {  	[dreg:$0x3] =	wrdreg $0x9  }
0xc2: {  	_ =	task [dreg:s21], $0x4FFFF  }
0xc3: {  	[dreg:$0x1] =	wrdreg $0xFFFFFFFF  }
0xc4: {  	[dreg:$0x0] =	wrdreg $0x60  }
0xc5: {  	[dreg:$0x2] =	wrdreg s2  }
0xc6: {  	[dreg:$0x3] =	wrdreg s3  }
0xc7: {  	[dreg:$0x4] =	wrdreg s4  }
0xc8: {  	[dreg:$0x5] =	wrdreg s5  }
0xc9: {  	[dreg:$0x6] =	wrdreg s6  }
0xca: {  	[dreg:$0x7] =	wrdreg s7  }
0xcb: {  	[dreg:$0x8] =	wrdreg s8  }
0xcc: {  	[dreg:$0x9] =	wrdreg s9  }
0xcd: {  	[dreg:$0xa] =	wrdreg s10  }
0xce: {  	[dreg:$0xb] =	wrdreg s11  }
0xcf: {  	[dreg:$0xc] =	wrdreg s12  }
0xd0: {  	[dreg:$0xd] =	wrdreg s24  }
0xd1: {  	[dreg:$0xe] =	wrdreg $0xCC800  }
0xd2: {  	[dreg:$0xf] =	wrdreg $0xCF000  }
0xd3: {  	_ =	task.clear_ibuf [dreg:s21], $0x10FFFF;
	_ =	strace $0x90000046  }
0xd4: {  	s29 =	simm.s32 $0x9;
	_ =	strace $0x80000048  }
0xd5: {  	_ =	swait.ge [sflag:s29], $0x1  }
0xd6: {  	[sflag:s29] =	ssyncadd.s32 $0xFFFFFFFF  }
0xd7: {  	_ =	strace $0x90000048  }
0xd8: {  	_ =	sfence  }
0xd9: {  	s30 =	sld [smem:$0x0];
	_ =	sdelay $0x2  }
0xda: {  	s31 =	sshll.u32 s1, $0xD;
	s1 =	sshrl.u32 s1, $0x2  }
0xdb: {  	s3 =	sand.u32 $0x4000, s31;
	s1 =	sadd.s32 s1, s30  }
0xdc: {  	s0 =	sor.u32 s3, s0;
	s1 =	sshll.u32 s1, $0x11  }
0xdd: {  	s0 =	sor.u32 s1, s0  }
0xde: {  	s0 =	sadd.s32 $0x8F2B, s0  }
0xdf: {  	[sflag:s0] =	ssyncadd.remote.s32 $0x1  }
0xe0: {  	_ =	sfence.sel $0xFFFF  }
0xe1: {  	[dreg:$0x0] =	wrdreg $0xFFFFFFFF;
	(pc) =	sbr.abs _section_cstart, $3  }
0xe2: {  	[dreg:$0x1] =	wrdreg $0xFFFFFFFF  }
0xe3: {  	_ =	task.clear_ibuf [dreg:s21], $0x2FFFF;
	_ =	strace $0x9FFFFFFF  }
0xe4: {  	(tm) =	ssettm $0x7FFFFFFF  }
0xe5: {  	_ =	shalt  }
tec
_tile_task_arg_handler_lowered:
.L_overlay_start_1:
0x0: {  	(tag) =	ssettag $0x1  }
0x1: {  	s0 =	rddreg [dreg:$0x0]  }
0x2: {  	s1 =	rddreg [dreg:$0x1]  }
0x3: {  	s2 =	rddreg [dreg:$0x2]  }
0x4: {  	s3 =	rddreg [dreg:$0x3]  }
0x5: {  	s4 =	rddreg [dreg:$0x4]  }
0x6: {  	s5 =	rddreg [dreg:$0x5]  }
0x7: {  	s6 =	rddreg [dreg:$0x6]  }
0x8: {  	s7 =	rddreg [dreg:$0x7]  }
0x9: {  	s8 =	rddreg [dreg:$0x8]  }
0xa: {  	s9 =	rddreg [dreg:$0x9]  }
0xb: {  	s10 =	rddreg [dreg:$0xa]  }
0xc: {  	s11 =	rddreg [dreg:$0xb]  }
0xd: {  	s12 =	rddreg [dreg:$0xc]  }
0xe: {  	s13 =	rddreg [dreg:$0xd]  }
0xf: {  	[smem:s0] =	sst s1  }
0x10: {  	[smem:s0+$0x1] =	sst s2  }
0x11: {  	[smem:s0+$0x2] =	sst s3  }
0x12: {  	[smem:s0+$0x3] =	sst s4  }
0x13: {  	[smem:s0+$0x4] =	sst s5  }
0x14: {  	[smem:s0+$0x5] =	sst s6  }
0x15: {  	[smem:s0+$0x6] =	sst s7  }
0x16: {  	[smem:s0+$0x7] =	sst s8  }
0x17: {  	[smem:s0+$0x8] =	sst s9  }
0x18: {  	[smem:s0+$0x9] =	sst s10  }
0x19: {  	[smem:s0+$0xA] =	sst s11  }
0x1a: {  	[smem:s0+$0xB] =	sst s12  }
0x1b: {  	[smem:s0+$0xC] =	sst s13;
	_ =	shalt  }
.Lfunc_end2:
execute0_lowered:
.L_overlay_start_2:
0x1c: {  	(tag) =	ssettag $0x2  }
0x1d: {  	s0 =	rddreg [dreg:$0x0]  }
0x1e: {  	s1 =	rddreg [dreg:$0x1]  }
0x1f: {  	s2 =	rddreg [dreg:$0x2]  }
0x20: {  	s4 =	rddreg [dreg:$0x4]  }
0x21: {  	s5 =	rddreg [dreg:$0x5]  }
0x22: {  	s3 =	rddreg [dreg:$0x6]  }
0x23: {  	s6 =	rddreg [dreg:$0x7]  }
0x24: {  	s7 =	rddreg [dreg:$0x8]  }
0x25: {  	s14 =	rddreg [dreg:$0x9]  }
0x26: {  	s15 =	rddreg [dreg:$0xa]  }
0x27: {  	s11 =	rddreg [dreg:$0xb]  }
0x28: {  	s8 =	rddreg [dreg:$0xc]  }
0x29: {  	s9 =	rddreg [dreg:$0xd];
	s10 =	simm.s32 $0x0  }
0x2a: {  	s23 =	stileid.u32;
	s13 =	srdreg.scid;
	s28 =	simm.s32 $0x4000  }
0x2b: {  	s29 =	simm.s32 $0x4800;
	s30 =	simm.s32 $0x1;
	s24 =	smul.u32 $0x280, s23  }
0x2c: {  	s31 =	simm.s32 $0x2;
	[smem:$0x7FF] =	sst s10;
	s21 =	smul.u32 $0x2800, s23  }
0x2d: {  	s16 =	sshll.u32 s23, $0x4;
	s18 =	sand.u32 $0x1, s13;
	s26 =	smul.u32 $0x500, s23  }
0x2e: {  	s12 =	sld [smem:$0x0];
	s22 =	sand.u32 $0x70, s16;
	s25 =	ssub.s32 $0x2, s18  }
0x2f: {  	s13 =	smul.u32 $0x28000, s18;
	s19 =	sshll.u32 s18, $0x4;
	s18 =	sshll.u32 s18, $0x7  }
0x30: {  	s17 =	sadd.s32 s22, s11;
	s20 =	sshrl.u32 s25, $0x1;
	s19 =	sor.u32 s23, s19  }
0x31: {  	s11 =	sadd.s32 s24, s8;
	s20 =	ssub.s32 s25, s20;
	s22 =	smul.u32 $0x500, s19  }
0x32: {  	v0 =	vlaneseq.u32;
	s13 =	sadd.s32 s21, s13;
	s23 =	sshll.u32 s19, $0x4;
	[dreg:$0xe] =	wrdreg s12  }
0x33: {  	v0 =	vmul.u32 $0x11, v0;
	s12 =	sadd.s32 s24, s9;
	s24 =	sor.u32 s18, s26;
	s26 =	smax.u32 s20, $0x1  }
0x34: {  	_ =	strace $0x80000047;
	s7 =	sadd.s32 s7, s22;
	[dreg:$0x15] =	wrdreg s26  }
0x35: {  	v0 =	vadd.s32 s16, v0;
	s21 =	simm.s32 $0x3;
	s14 =	sadd.s32 s14, s22;
	[dreg:$0xf] =	wrdreg s7  }
0x36: {  	v1 =	vmulhi.u32 $0x1111112, v0;
	s15 =	sadd.s32 s15, s22;
	s26 =	simm.s32 $0x80;
	[dreg:$0x10] =	wrdreg s14  }
0x37: {  	s7 =	sand.u32 $0x180, s23;
	[dreg:$0x11] =	wrdreg s15;
	s14 =	sshrl.u32 s24, $0x3  }
0x38: {  	v1 =	vmul.u32 $0xF0, v1;
	s23 =	simm.s32 $0x2800;
	s24 =	simm.s32 $0x3000;
	s3 =	sadd.s32 s3, s14  }
0x39: {  	s7 =	sadd.s32 s7, s17;
	s25 =	sadd.s32 s6, s14;
	[dreg:$0x13] =	wrdreg s3  }
0x3a: {  	v0 =	vsub.s32 v0, v1;
	s7 =	sadd.s32 $0x800, s7;
	[dreg:$0x14] =	wrdreg s25;
	s25 =	simm.s32 $0x3800  }
0x3b: {  	v2 =	vimm.s32 $0x0;
	v1 =	vimm.f32 $0.0e+00;
	v0 =	vadd.s32 $0x2710, v0;
	s3 =	simm.s32 $0x10;
	[dreg:$0x12] =	wrdreg s7;
	s7 =	simm.s32 $0x0  }
.LBB3_1:
0x3c: {  	s6 =	rddreg [dreg:$0x3]  }
0x3d: {  	[tilespmem:s10], [sflag:$0x3] =	stream.linear.gather [hbm4b:s6+s10], $0x2800, $0x38;
	[tilespmem:$0xD180] =	vst v63  }
0x3e: {  	_ =	swait.ge [sflag:s21], $0x2800  }
0x3f: {  	[sflag:s21] =	ssyncset.done $0x0  }
0x40: {  	s14 =	simm.s32 $0x40;
	s15 =	simm.s32 $0x0;
	[sflag:s21] =	ssyncadd.s32 $0xFFFFD800  }
.LBB3_2:
0x41: {  	p0 =	sne.s32 s14, $0xA0C0;
	[tilespmem:s15+$0xA380] =	vst v1;
	s16 =	smov.u32 s14;
	s14 =	sadd.s32 $0x40, s14  }
.Ltmp0:
0x42: {  	[tilespmem:s15+$0x5280] =	vst v0;
	(pc) =	sbr.rel @p0 .LBB3_2-.Ltmp0, $2  }
0x43: {  	[tilespmem:s15+$0x7B00] =	vst v0;
	_ =	sdelay $0x2  }
0x44: {  	s15 =	sshra.s32 s16, $0x2  }
0x45: {  	[tilespmem:s15+$0xA380] =	vst v1  }
0x46: {  	[tilespmem:s15+$0x5280] =	vst v0  }
0x47: {  	[tilespmem:s15+$0x7B00] =	vst v0  }
0x48: {  	[tilespmem:$0x5000] =	vst v1  }
0x49: {  	[tilespmem:$0x5010] =	vst v1  }
0x4a: {  	[tilespmem:$0x5020] =	vst v1  }
0x4b: {  	[tilespmem:$0x5030] =	vst v1  }
0x4c: {  	[tilespmem:$0x5040] =	vst v1  }
0x4d: {  	[tilespmem:$0x5050] =	vst v1  }
0x4e: {  	[tilespmem:$0x5060] =	vst v1  }
0x4f: {  	[tilespmem:$0x5070] =	vst v1  }
0x50: {  	[tilespmem:$0x5080] =	vst v1  }
0x51: {  	[tilespmem:$0x5090] =	vst v1  }
0x52: {  	[tilespmem:$0x50A0] =	vst v1  }
0x53: {  	[tilespmem:$0x50B0] =	vst v1  }
0x54: {  	[tilespmem:$0x50C0] =	vst v1  }
0x55: {  	[tilespmem:$0x50D0] =	vst v1  }
0x56: {  	[tilespmem:$0x50E0] =	vst v1  }
0x57: {  	[tilespmem:$0x50F0] =	vst v1  }
0x58: {  	[tilespmem:$0x5100] =	vst v1  }
0x59: {  	[tilespmem:$0x5110] =	vst v1  }
0x5a: {  	[tilespmem:$0x5120] =	vst v1  }
0x5b: {  	[tilespmem:$0x5130] =	vst v1  }
0x5c: {  	[tilespmem:$0x5140] =	vst v1  }
0x5d: {  	[tilespmem:$0x5150] =	vst v1  }
0x5e: {  	[tilespmem:$0x5160] =	vst v1  }
0x5f: {  	[tilespmem:$0x5170] =	vst v1  }
0x60: {  	[tilespmem:$0x5180] =	vst v1  }
0x61: {  	[tilespmem:$0x5190] =	vst v1  }
0x62: {  	[tilespmem:$0x51A0] =	vst v1  }
0x63: {  	[tilespmem:$0x51B0] =	vst v1  }
0x64: {  	[tilespmem:$0x51C0] =	vst v1  }
0x65: {  	[tilespmem:$0x51D0] =	vst v1  }
0x66: {  	[tilespmem:$0x51E0] =	vst v1  }
0x67: {  	[tilespmem:$0x51F0] =	vst v1  }
0x68: {  	[tilespmem:$0x5200] =	vst v1  }
0x69: {  	[tilespmem:$0x5210] =	vst v1  }
0x6a: {  	[tilespmem:$0x5220] =	vst v1  }
0x6b: {  	[tilespmem:$0x5230] =	vst v1  }
0x6c: {  	[tilespmem:$0x5240] =	vst v1  }
0x6d: {  	[tilespmem:$0x5250] =	vst v1  }
0x6e: {  	[tilespmem:$0x5260] =	vst v1  }
0x6f: {  	s6 =	simm.s32 $0x5000;
	[tilespmem:$0x5270] =	vst v1  }
0x70: {  	[spmem:s11] =	stream.linear.scatter [tilespmem:s6], [sflag:$0x3], $0x280, $0x38;
	[tilespmem:$0xD180] =	vst v63  }
0x71: {  	_ =	swait.ge [sflag:s21], $0x280  }
0x72: {  	[sflag:s21] =	ssyncset.done $0x0  }
0x73: {  	[sflag:s21] =	ssyncadd.s32 $0xFFFFFD80  }
0x74: {  	[spmem:s12] =	stream.linear.scatter [tilespmem:s6], [sflag:$0x3], $0x280, $0x38;
	[tilespmem:$0xD180] =	vst v63  }
0x75: {  	_ =	swait.ge [sflag:s21], $0x280  }
0x76: {  	[sflag:s21] =	ssyncset.done $0x0  }
0x77: {  	s14 =	simm.s32 $0x0;
	[sflag:s21] =	ssyncadd.s32 $0xFFFFFD80  }
0x78: {  	s17 =	simm.s32 $0x0;
	s22 =	simm.s32 $0x0;
	[bflag:$0x0] =	sbarrier.arrive $0xFFFF  }
.LBB3_4:
0x79: {  	s15 =	sshll.u32 s22, $0xB  }
0x7a: {  	s15 =	sadd.s32 s15, s13  }
0x7b: {  	s15 =	sshrl.u32 s15, $0x3  }
0x7c: {  	s16 =	sadd.s32 s0, s15  }
0x7d: {  	[tilespmem:s23], [sflag:$0x3] =	stream.linear.gather [hbm4b:s16+s14], $0x800, $0x38;
	[tilespmem:$0xD180] =	vst v63  }
0x7e: {  	_ =	swait.ge [sflag:s21], $0x800  }
0x7f: {  	[sflag:s21] =	ssyncset.done $0x0  }
0x80: {  	s18 =	sadd.s32 s1, s15;
	[sflag:s21] =	ssyncadd.s32 $0xFFFFF800  }
0x81: {  	[tilespmem:s24], [sflag:$0x3] =	stream.linear.gather [hbm4b:s18+s14], $0x800, $0x38;
	[tilespmem:$0xD180] =	vst v63  }
0x82: {  	_ =	swait.ge [sflag:s21], $0x800  }
0x83: {  	[sflag:s21] =	ssyncset.done $0x0  }
0x84: {  	s19 =	sadd.s32 s2, s15;
	[sflag:s21] =	ssyncadd.s32 $0xFFFFF800  }
0x85: {  	[tilespmem:s25], [sflag:$0x3] =	stream.linear.gather [hbm4b:s19+s14], $0x800, $0x38;
	[tilespmem:$0xD180] =	vst v63  }
0x86: {  	_ =	swait.ge [sflag:s21], $0x800  }
0x87: {  	[sflag:s21] =	ssyncset.done $0x0  }
0x88: {  	s16 =	simm.s32 $0x0;
	[sflag:s21] =	ssyncadd.s32 $0xFFFFF800  }
0x89: {  	v3 =	vld [tilespmem:s16+$0x2800]  }
0x8a: {  	v4 =	vld [tilespmem:s16+$0x3000];
	_ =	sdelay $0x6  }
0x8b: {  	v5 =	vld.idx.msk [tilespmem:v3+s10+$0x0], $0xffff  }
0x8c: {  	v6 =	vld.idx.msk [tilespmem:v4+s10+$0x0], $0xffff;
	_ =	sdelay $0x1  }
0x8d: {  	v7 =	vld [tilespmem:s16+$0x3800];
	_ =	sdelay $0x2  }
0x8e: {  	v5 =	vmul.f32 v6, v5;
	_ =	sdelay $0x1  }
0x8f: {  	v6 =	vmul.f32 v5, v7;
	_ =	sdelay $0x1  }
0x90: {  	vm0 =	vlt.f32 v6, $0.0e+00;
	vm1 =	vgt.f32 v6, $0.0e+00  }
0x91: {  	[tilespmem:s16+$0x4000] =	vst v5;
	vm0 =	vmor vm1, vm0  }
0x92: {  	[tilespmem:s16+$0x4800] =	vst v6;
	v7 =	vsel vm0, $0x1, v2  }
0x93: {  	[tilespmem:s17+$0x5280] =	vst.msk vm0, v3;
	(xrf0) =	vadd.scan.msk.s32 $0xffff, v7  }
0x94: {  	[tilespmem:s17+$0x7B00] =	vst.msk vm0, v4  }
0x95: {  	[tilespmem:s17+$0xA380] =	vst.msk vm0, v6  }
0x96: {  	v3 =	vld [tilespmem:s16+$0x2810]  }
0x97: {  	v4 =	vld [tilespmem:s16+$0x3010];
	_ =	sdelay $0x1  }
0x98: {  	v5, _, _ =	vpop (xrf0)  }
0x99: {  	(v2sf) =	vpush v5, $0xF;
	_ =	sdelay $0x3  }
0x9a: {  	v5 =	vld.idx.msk [tilespmem:v3+s10+$0x0], $0xffff  }
0x9b: {  	v6 =	vld.idx.msk [tilespmem:v4+s10+$0x0], $0xffff;
	_ =	sdelay $0x1  }
0x9c: {  	v7 =	vld [tilespmem:s16+$0x3810];
	_ =	sdelay $0x2  }
0x9d: {  	v5 =	vmul.f32 v6, v5;
	_ =	sdelay $0x1  }
0x9e: {  	v6 =	vmul.f32 v5, v7;
	_ =	sdelay $0x1  }
0x9f: {  	vm14 =	vlt.f32 v6, $0.0e+00;
	vm15 =	vgt.f32 v6, $0.0e+00  }
0xa0: {  	[tilespmem:s16+$0x4010] =	vst v5;
	vm0 =	vmor vm15, vm14;
	s18 =	spop (v2sf)  }
0xa1: {  	[tilespmem:s16+$0x4810] =	vst v6;
	v5 =	vsel vm0, $0x1, v2;
	s20 =	sadd.s32 s17, s18  }
0xa2: {  	(xrf0) =	vadd.scan.msk.s32 $0xffff, v5;
	[tilespmem:s20+$0x5280] =	vst.msk vm0, v3  }
0xa3: {  	[tilespmem:s20+$0x7B00] =	vst.msk vm0, v4  }
0xa4: {  	[tilespmem:s20+$0xA380] =	vst.msk vm0, v6  }
0xa5: {  	v3 =	vld [tilespmem:s16+$0x2820]  }
0xa6: {  	v4 =	vld [tilespmem:s16+$0x3020];
	_ =	sdelay $0x1  }
0xa7: {  	v5, _, _ =	vpop (xrf0)  }
0xa8: {  	(v2sf) =	vpush v5, $0xF;
	_ =	sdelay $0x3  }
0xa9: {  	v5 =	vld.idx.msk [tilespmem:v3+s10+$0x0], $0xffff  }
0xaa: {  	v6 =	vld.idx.msk [tilespmem:v4+s10+$0x0], $0xffff;
	_ =	sdelay $0x1  }
0xab: {  	v7 =	vld [tilespmem:s16+$0x3820];
	_ =	sdelay $0x2  }
0xac: {  	v5 =	vmul.f32 v6, v5;
	_ =	sdelay $0x1  }
0xad: {  	v6 =	vmul.f32 v5, v7;
	_ =	sdelay $0x1  }
0xae: {  	vm4 =	vlt.f32 v6, $0.0e+00;
	vm5 =	vgt.f32 v6, $0.0e+00  }
0xaf: {  	[tilespmem:s16+$0x4020] =	vst v5;
	s6 =	spop (v2sf);
	vm0 =	vmor vm5, vm4  }
0xb0: {  	[tilespmem:s16+$0x4820] =	vst v6;
	s17 =	sadd.s32 s20, s6;
	v5 =	vsel vm0, $0x1, v2  }
0xb1: {  	[tilespmem:s17+$0x5280] =	vst.msk vm0, v3;
	(xrf0) =	vadd.scan.msk.s32 $0xffff, v5  }
0xb2: {  	[tilespmem:s17+$0x7B00] =	vst.msk vm0, v4  }
0xb3: {  	[tilespmem:s17+$0xA380] =	vst.msk vm0, v6  }
0xb4: {  	v3 =	vld [tilespmem:s16+$0x2830]  }
0xb5: {  	v4 =	vld [tilespmem:s16+$0x3030];
	_ =	sdelay $0x1  }
0xb6: {  	v5, _, _ =	vpop (xrf0)  }
0xb7: {  	(v2sf) =	vpush v5, $0xF;
	_ =	sdelay $0x3  }
0xb8: {  	v5 =	vld.idx.msk [tilespmem:v3+s10+$0x0], $0xffff  }
0xb9: {  	v6 =	vld.idx.msk [tilespmem:v4+s10+$0x0], $0xffff;
	_ =	sdelay $0x1  }
0xba: {  	v7 =	vld [tilespmem:s16+$0x3830];
	_ =	sdelay $0x2  }
0xbb: {  	v5 =	vmul.f32 v6, v5;
	_ =	sdelay $0x1  }
0xbc: {  	v6 =	vmul.f32 v5, v7;
	_ =	sdelay $0x1  }
0xbd: {  	vm6 =	vlt.f32 v6, $0.0e+00;
	vm7 =	vgt.f32 v6, $0.0e+00  }
0xbe: {  	[tilespmem:s16+$0x4030] =	vst v5;
	vm0 =	vmor vm7, vm6;
	s19 =	spop (v2sf)  }
0xbf: {  	[tilespmem:s16+$0x4830] =	vst v6;
	v5 =	vsel vm0, $0x1, v2;
	s17 =	sadd.s32 s17, s19  }
0xc0: {  	(xrf0) =	vadd.scan.msk.s32 $0xffff, v5;
	[tilespmem:s17+$0x5280] =	vst.msk vm0, v3  }
0xc1: {  	[tilespmem:s17+$0x7B00] =	vst.msk vm0, v4  }
0xc2: {  	[tilespmem:s17+$0xA380] =	vst.msk vm0, v6  }
0xc3: {  	v3 =	vld [tilespmem:s16+$0x2840]  }
0xc4: {  	v4 =	vld [tilespmem:s16+$0x3040];
	_ =	sdelay $0x1  }
0xc5: {  	v5, _, _ =	vpop (xrf0)  }
0xc6: {  	(v2sf) =	vpush v5, $0xF;
	_ =	sdelay $0x3  }
0xc7: {  	v5 =	vld.idx.msk [tilespmem:v3+s10+$0x0], $0xffff  }
0xc8: {  	v6 =	vld.idx.msk [tilespmem:v4+s10+$0x0], $0xffff;
	_ =	sdelay $0x1  }
0xc9: {  	v7 =	vld [tilespmem:s16+$0x3840];
	_ =	sdelay $0x2  }
0xca: {  	v5 =	vmul.f32 v6, v5;
	_ =	sdelay $0x1  }
0xcb: {  	v6 =	vmul.f32 v5, v7;
	_ =	sdelay $0x1  }
0xcc: {  	vm8 =	vlt.f32 v6, $0.0e+00;
	vm9 =	vgt.f32 v6, $0.0e+00  }
0xcd: {  	[tilespmem:s16+$0x4040] =	vst v5;
	s20 =	spop (v2sf);
	vm0 =	vmor vm9, vm8  }
0xce: {  	[tilespmem:s16+$0x4840] =	vst v6;
	s17 =	sadd.s32 s17, s20;
	v5 =	vsel vm0, $0x1, v2  }
0xcf: {  	[tilespmem:s17+$0x5280] =	vst.msk vm0, v3;
	(xrf0) =	vadd.scan.msk.s32 $0xffff, v5  }
0xd0: {  	[tilespmem:s17+$0x7B00] =	vst.msk vm0, v4  }
0xd1: {  	[tilespmem:s17+$0xA380] =	vst.msk vm0, v6  }
0xd2: {  	v3 =	vld [tilespmem:s16+$0x2850]  }
0xd3: {  	v4 =	vld [tilespmem:s16+$0x3050];
	_ =	sdelay $0x1  }
0xd4: {  	v5, _, _ =	vpop (xrf0)  }
0xd5: {  	(v2sf) =	vpush v5, $0xF;
	_ =	sdelay $0x3  }
0xd6: {  	v5 =	vld.idx.msk [tilespmem:v3+s10+$0x0], $0xffff  }
0xd7: {  	v6 =	vld.idx.msk [tilespmem:v4+s10+$0x0], $0xffff;
	_ =	sdelay $0x1  }
0xd8: {  	v7 =	vld [tilespmem:s16+$0x3850];
	_ =	sdelay $0x2  }
0xd9: {  	v5 =	vmul.f32 v6, v5;
	_ =	sdelay $0x1  }
0xda: {  	v6 =	vmul.f32 v5, v7;
	_ =	sdelay $0x1  }
0xdb: {  	vm10 =	vlt.f32 v6, $0.0e+00;
	vm11 =	vgt.f32 v6, $0.0e+00  }
0xdc: {  	[tilespmem:s16+$0x4050] =	vst v5;
	vm0 =	vmor vm11, vm10;
	s6 =	spop (v2sf)  }
0xdd: {  	[tilespmem:s16+$0x4850] =	vst v6;
	v5 =	vsel vm0, $0x1, v2;
	s17 =	sadd.s32 s17, s6  }
0xde: {  	(xrf0) =	vadd.scan.msk.s32 $0xffff, v5;
	[tilespmem:s17+$0x5280] =	vst.msk vm0, v3  }
0xdf: {  	[tilespmem:s17+$0x7B00] =	vst.msk vm0, v4  }
0xe0: {  	[tilespmem:s17+$0xA380] =	vst.msk vm0, v6  }
0xe1: {  	v3 =	vld [tilespmem:s16+$0x2860]  }
0xe2: {  	v4 =	vld [tilespmem:s16+$0x3060];
	_ =	sdelay $0x1  }
0xe3: {  	v5, _, _ =	vpop (xrf0)  }
0xe4: {  	(v2sf) =	vpush v5, $0xF;
	_ =	sdelay $0x3  }
0xe5: {  	v5 =	vld.idx.msk [tilespmem:v3+s10+$0x0], $0xffff  }
0xe6: {  	v6 =	vld.idx.msk [tilespmem:v4+s10+$0x0], $0xffff;
	_ =	sdelay $0x1  }
0xe7: {  	v7 =	vld [tilespmem:s16+$0x3860];
	_ =	sdelay $0x2  }
0xe8: {  	v5 =	vmul.f32 v6, v5;
	_ =	sdelay $0x1  }
0xe9: {  	v6 =	vmul.f32 v5, v7;
	_ =	sdelay $0x1  }
0xea: {  	vm12 =	vlt.f32 v6, $0.0e+00;
	vm13 =	vgt.f32 v6, $0.0e+00  }
0xeb: {  	[tilespmem:s16+$0x4060] =	vst v5;
	s19 =	spop (v2sf);
	vm0 =	vmor vm13, vm12  }
0xec: {  	[tilespmem:s16+$0x4860] =	vst v6;
	s17 =	sadd.s32 s17, s19;
	v5 =	vsel vm0, $0x1, v2  }
0xed: {  	[tilespmem:s17+$0x5280] =	vst.msk vm0, v3;
	(xrf0) =	vadd.scan.msk.s32 $0xffff, v5  }
0xee: {  	[tilespmem:s17+$0x7B00] =	vst.msk vm0, v4  }
0xef: {  	[tilespmem:s17+$0xA380] =	vst.msk vm0, v6  }
0xf0: {  	v3 =	vld [tilespmem:s16+$0x2870]  }
0xf1: {  	v4 =	vld [tilespmem:s16+$0x3070];
	_ =	sdelay $0x1  }
0xf2: {  	v5, _, _ =	vpop (xrf0)  }
0xf3: {  	(v2sf) =	vpush v5, $0xF;
	_ =	sdelay $0x3  }
0xf4: {  	v5 =	vld.idx.msk [tilespmem:v3+s10+$0x0], $0xffff  }
0xf5: {  	v6 =	vld.idx.msk [tilespmem:v4+s10+$0x0], $0xffff;
	_ =	sdelay $0x1  }
0xf6: {  	v7 =	vld [tilespmem:s16+$0x3870];
	_ =	sdelay $0x2  }
0xf7: {  	v5 =	vmul.f32 v6, v5;
	_ =	sdelay $0x1  }
0xf8: {  	v6 =	vmul.f32 v5, v7;
	_ =	sdelay $0x1  }
0xf9: {  	vm14 =	vlt.f32 v6, $0.0e+00;
	vm15 =	vgt.f32 v6, $0.0e+00  }
0xfa: {  	[tilespmem:s16+$0x4070] =	vst v5;
	vm0 =	vmor vm15, vm14;
	s20 =	spop (v2sf)  }
0xfb: {  	[tilespmem:s16+$0x4870] =	vst v6;
	v5 =	vsel vm0, $0x1, v2;
	s19 =	sadd.s32 s17, s20  }
0xfc: {  	(xrf0) =	vadd.scan.msk.s32 $0xffff, v5;
	[tilespmem:s19+$0x5280] =	vst.msk vm0, v3  }
0xfd: {  	[tilespmem:s19+$0x7B00] =	vst.msk vm0, v4  }
0xfe: {  	s18 =	simm.s32 $0x4800;
	s6 =	simm.s32 $0x3000;
	[tilespmem:s19+$0xA380] =	vst.msk vm0, v6  }
0xff: {  	[spmem:s8] =	stream.indirect.scatter.add.f32 [tilespmem:s18], [sflag:$0x1], $0x1, s6, s26, $0xb8;
	[tilespmem:$0xD180] =	vst v63  }
0x100: {  	s16 =	simm.s32 $0x80;
	s20 =	simm.s32 $0x4000  }
0x101: {  	[spmem:s9] =	stream.indirect.scatter.add.f32 [tilespmem:s20], [sflag:$0x2], $0x1, s6, s26, $0xb8;
	[tilespmem:$0xD180] =	vst v63  }
0x102: {  	v7, _, _ =	vpop (xrf0);
	v3 =	vld [tilespmem:s16+$0x2800]  }
0x103: {  	(v2sf) =	vpush v7, $0xF;
	v4 =	vld [tilespmem:s16+$0x3000];
	_ =	sdelay $0x5  }
0x104: {  	v5 =	vld [tilespmem:s16+$0x3800]  }
0x105: {  	v6 =	vld.idx.msk [tilespmem:v3+s10+$0x0], $0xffff  }
0x106: {  	s17 =	simm.s32 $0x400;
	v7 =	vld.idx.msk [tilespmem:v4+s10+$0x0], $0xffff  }
.LBB3_5:
0x107: {  	_ =	sdelay $0x1  }
0x108: {  	p0 =	sne.s32 s17, $0x1E00;
	s18 =	smov.u32 s17;
	s17 =	sadd.s32 $0x200, s17  }
0x109: {  	_ =	sdelay $0x1  }
0x10a: {  	v6 =	vmul.f32 v7, v6  }
0x10b: {  	s20 =	spop (v2sf)  }
0x10c: {  	v5 =	vmul.f32 v6, v5;
	s19 =	sadd.s32 s19, s20;
	_ =	sdelay $0x1  }
0x10d: {  	vm0 =	vlt.f32 v5, $0.0e+00;
	vm1 =	vgt.f32 v5, $0.0e+00;
	[tilespmem:s16+$0x4800] =	vst v5  }
0x10e: {  	vm0 =	vmor vm1, vm0;
	[tilespmem:s16+$0x4000] =	vst v6  }
0x10f: {  	[tilespmem:s19+$0x5280] =	vst.msk vm0, v3;
	v3 =	vsel vm0, $0x1, v2  }
0x110: {  	[tilespmem:s19+$0x7B00] =	vst.msk vm0, v4;
	(xrf0) =	vadd.scan.msk.s32 $0xffff, v3  }
0x111: {  	[tilespmem:s19+$0xA380] =	vst.msk vm0, v5  }
0x112: {  	v3 =	vld [tilespmem:s16+$0x2810]  }
0x113: {  	v4 =	vld [tilespmem:s16+$0x3010];
	_ =	sdelay $0x2  }
0x114: {  	v5, _, _ =	vpop (xrf0)  }
0x115: {  	(v2sf) =	vpush v5, $0xF;
	_ =	sdelay $0x2  }
0x116: {  	v5 =	vld.idx.msk [tilespmem:v3+s10+$0x0], $0xffff  }
0x117: {  	v6 =	vld.idx.msk [tilespmem:v4+s10+$0x0], $0xffff;
	_ =	sdelay $0x2  }
0x118: {  	v7 =	vld [tilespmem:s16+$0x3810];
	_ =	sdelay $0x2  }
0x119: {  	v5 =	vmul.f32 v6, v5;
	_ =	sdelay $0x1  }
0x11a: {  	v6 =	vmul.f32 v5, v7;
	_ =	sdelay $0x1  }
0x11b: {  	vm0 =	vlt.f32 v6, $0.0e+00;
	vm1 =	vgt.f32 v6, $0.0e+00  }
0x11c: {  	[tilespmem:s16+$0x4010] =	vst v5;
	vm0 =	vmor vm1, vm0;
	s20 =	spop (v2sf)  }
0x11d: {  	s19 =	sadd.s32 s19, s20;
	[tilespmem:s16+$0x4810] =	vst v6;
	v5 =	vsel vm0, $0x1, v2  }
0x11e: {  	[tilespmem:s19+$0x5280] =	vst.msk vm0, v3;
	(xrf0) =	vadd.scan.msk.s32 $0xffff, v5  }
0x11f: {  	[tilespmem:s19+$0x7B00] =	vst.msk vm0, v4  }
0x120: {  	[tilespmem:s19+$0xA380] =	vst.msk vm0, v6  }
0x121: {  	v3 =	vld [tilespmem:s16+$0x2820]  }
0x122: {  	v4 =	vld [tilespmem:s16+$0x3020];
	_ =	sdelay $0x1  }
0x123: {  	v5, _, _ =	vpop (xrf0)  }
0x124: {  	(v2sf) =	vpush v5, $0xF;
	_ =	sdelay $0x3  }
0x125: {  	v5 =	vld.idx.msk [tilespmem:v3+s10+$0x0], $0xffff  }
0x126: {  	v6 =	vld.idx.msk [tilespmem:v4+s10+$0x0], $0xffff;
	_ =	sdelay $0x2  }
0x127: {  	v7 =	vld [tilespmem:s16+$0x3820];
	_ =	sdelay $0x2  }
0x128: {  	v5 =	vmul.f32 v6, v5;
	_ =	sdelay $0x1  }
0x129: {  	v6 =	vmul.f32 v5, v7;
	_ =	sdelay $0x1  }
0x12a: {  	[tilespmem:s16+$0x4020] =	vst v5;
	vm0 =	vlt.f32 v6, $0.0e+00;
	vm1 =	vgt.f32 v6, $0.0e+00;
	s20 =	spop (v2sf)  }
0x12b: {  	s19 =	sadd.s32 s19, s20;
	[tilespmem:s16+$0x4820] =	vst v6;
	vm0 =	vmor vm1, vm0  }
0x12c: {  	[tilespmem:s19+$0x5280] =	vst.msk vm0, v3;
	v3 =	vsel vm0, $0x1, v2  }
0x12d: {  	[tilespmem:s19+$0x7B00] =	vst.msk vm0, v4;
	(xrf0) =	vadd.scan.msk.s32 $0xffff, v3  }
0x12e: {  	[tilespmem:s19+$0xA380] =	vst.msk vm0, v6  }
0x12f: {  	v3 =	vld [tilespmem:s16+$0x2830]  }
0x130: {  	v4 =	vld [tilespmem:s16+$0x3030];
	_ =	sdelay $0x2  }
0x131: {  	v5, _, _ =	vpop (xrf0)  }
0x132: {  	(v2sf) =	vpush v5, $0xF;
	_ =	sdelay $0x2  }
0x133: {  	v5 =	vld.idx.msk [tilespmem:v3+s10+$0x0], $0xffff  }
0x134: {  	v6 =	vld.idx.msk [tilespmem:v4+s10+$0x0], $0xffff;
	_ =	sdelay $0x2  }
0x135: {  	v7 =	vld [tilespmem:s16+$0x3830];
	_ =	sdelay $0x2  }
0x136: {  	v5 =	vmul.f32 v6, v5;
	_ =	sdelay $0x1  }
0x137: {  	v6 =	vmul.f32 v5, v7;
	_ =	sdelay $0x1  }
0x138: {  	[tilespmem:s16+$0x4830] =	vst v6;
	vm0 =	vlt.f32 v6, $0.0e+00;
	vm1 =	vgt.f32 v6, $0.0e+00  }
0x139: {  	vm0 =	vmor vm1, vm0;
	s20 =	spop (v2sf)  }
0x13a: {  	s19 =	sadd.s32 s19, s20;
	[tilespmem:s16+$0x4030] =	vst v5;
	v5 =	vsel vm0, $0x1, v2  }
0x13b: {  	[tilespmem:s19+$0x5280] =	vst.msk vm0, v3;
	(xrf0) =	vadd.scan.msk.s32 $0xffff, v5  }
0x13c: {  	[tilespmem:s19+$0x7B00] =	vst.msk vm0, v4  }
0x13d: {  	[tilespmem:s19+$0xA380] =	vst.msk vm0, v6  }
0x13e: {  	v3 =	vld [tilespmem:s16+$0x2840]  }
0x13f: {  	v4 =	vld [tilespmem:s16+$0x3040];
	_ =	sdelay $0x1  }
0x140: {  	v5, _, _ =	vpop (xrf0)  }
0x141: {  	(v2sf) =	vpush v5, $0xF;
	_ =	sdelay $0x3  }
0x142: {  	v5 =	vld.idx.msk [tilespmem:v3+s10+$0x0], $0xffff  }
0x143: {  	v6 =	vld.idx.msk [tilespmem:v4+s10+$0x0], $0xffff;
	_ =	sdelay $0x2  }
0x144: {  	v7 =	vld [tilespmem:s16+$0x3840];
	_ =	sdelay $0x2  }
0x145: {  	v5 =	vmul.f32 v6, v5;
	_ =	sdelay $0x1  }
0x146: {  	v6 =	vmul.f32 v5, v7;
	[tilespmem:s16+$0x4040] =	vst v5;
	_ =	sdelay $0x1  }
0x147: {  	[tilespmem:s16+$0x4840] =	vst v6;
	vm0 =	vlt.f32 v6, $0.0e+00;
	vm1 =	vgt.f32 v6, $0.0e+00;
	s20 =	spop (v2sf)  }
0x148: {  	s19 =	sadd.s32 s19, s20;
	vm0 =	vmor vm1, vm0  }
0x149: {  	[tilespmem:s19+$0x5280] =	vst.msk vm0, v3;
	v3 =	vsel vm0, $0x1, v2  }
0x14a: {  	[tilespmem:s19+$0x7B00] =	vst.msk vm0, v4;
	(xrf0) =	vadd.scan.msk.s32 $0xffff, v3  }
0x14b: {  	[tilespmem:s19+$0xA380] =	vst.msk vm0, v6  }
0x14c: {  	v3 =	vld [tilespmem:s16+$0x2850]  }
0x14d: {  	v4 =	vld [tilespmem:s16+$0x3050]  }
0x14e: {  	v5 =	vld [tilespmem:s16+$0x3850];
	_ =	sdelay $0x1  }
0x14f: {  	v6, _, _ =	vpop (xrf0)  }
0x150: {  	(v2sf) =	vpush v6, $0xF;
	_ =	sdelay $0x2  }
0x151: {  	v6 =	vld.idx.msk [tilespmem:v3+s10+$0x0], $0xffff  }
0x152: {  	v7 =	vld.idx.msk [tilespmem:v4+s10+$0x0], $0xffff;
	_ =	sdelay $0x5  }
0x153: {  	v6 =	vmul.f32 v7, v6;
	_ =	sdelay $0x1  }
0x154: {  	v5 =	vmul.f32 v6, v5;
	[tilespmem:s16+$0x4050] =	vst v6;
	_ =	sdelay $0x1  }
0x155: {  	vm0 =	vlt.f32 v5, $0.0e+00;
	vm1 =	vgt.f32 v5, $0.0e+00;
	[tilespmem:s16+$0x4850] =	vst v5  }
0x156: {  	vm0 =	vmor vm1, vm0;
	s20 =	spop (v2sf)  }
0x157: {  	v6 =	vsel vm0, $0x1, v2;
	s19 =	sadd.s32 s19, s20  }
0x158: {  	[tilespmem:s19+$0x5280] =	vst.msk vm0, v3;
	(xrf0) =	vadd.scan.msk.s32 $0xffff, v6  }
0x159: {  	[tilespmem:s19+$0x7B00] =	vst.msk vm0, v4  }
0x15a: {  	[tilespmem:s19+$0xA380] =	vst.msk vm0, v5  }
0x15b: {  	v3 =	vld [tilespmem:s16+$0x2860]  }
0x15c: {  	v4 =	vld [tilespmem:s16+$0x3060]  }
0x15d: {  	v5 =	vld [tilespmem:s16+$0x3860]  }
0x15e: {  	v6, _, _ =	vpop (xrf0)  }
0x15f: {  	(v2sf) =	vpush v6, $0xF;
	_ =	sdelay $0x3  }
0x160: {  	v6 =	vld.idx.msk [tilespmem:v3+s10+$0x0], $0xffff  }
0x161: {  	v7 =	vld.idx.msk [tilespmem:v4+s10+$0x0], $0xffff;
	_ =	sdelay $0x5  }
0x162: {  	v6 =	vmul.f32 v7, v6;
	_ =	sdelay $0x1  }
0x163: {  	v5 =	vmul.f32 v6, v5;
	[tilespmem:s16+$0x4060] =	vst v6;
	_ =	sdelay $0x1  }
0x164: {  	vm0 =	vlt.f32 v5, $0.0e+00;
	vm1 =	vgt.f32 v5, $0.0e+00;
	[tilespmem:s16+$0x4860] =	vst v5;
	s20 =	spop (v2sf)  }
0x165: {  	vm0 =	vmor vm1, vm0;
	s19 =	sadd.s32 s19, s20  }
0x166: {  	[tilespmem:s19+$0x5280] =	vst.msk vm0, v3;
	v3 =	vsel vm0, $0x1, v2  }
0x167: {  	[tilespmem:s19+$0x7B00] =	vst.msk vm0, v4;
	(xrf0) =	vadd.scan.msk.s32 $0xffff, v3  }
0x168: {  	[tilespmem:s19+$0xA380] =	vst.msk vm0, v5  }
0x169: {  	v3 =	vld [tilespmem:s16+$0x2870]  }
0x16a: {  	v4 =	vld [tilespmem:s16+$0x3070]  }
0x16b: {  	v5 =	vld [tilespmem:s16+$0x3870];
	_ =	sdelay $0x1  }
0x16c: {  	v6, _, _ =	vpop (xrf0)  }
0x16d: {  	(v2sf) =	vpush v6, $0xF;
	_ =	sdelay $0x2  }
0x16e: {  	v6 =	vld.idx.msk [tilespmem:v3+s10+$0x0], $0xffff  }
0x16f: {  	v7 =	vld.idx.msk [tilespmem:v4+s10+$0x0], $0xffff;
	_ =	sdelay $0x5  }
0x170: {  	v6 =	vmul.f32 v7, v6;
	_ =	sdelay $0x1  }
0x171: {  	v5 =	vmul.f32 v6, v5;
	[tilespmem:s16+$0x4070] =	vst v6;
	_ =	sdelay $0x1  }
0x172: {  	vm0 =	vlt.f32 v5, $0.0e+00;
	vm1 =	vgt.f32 v5, $0.0e+00;
	[tilespmem:s16+$0x4870] =	vst v5  }
0x173: {  	vm0 =	vmor vm1, vm0;
	s20 =	spop (v2sf)  }
0x174: {  	v6 =	vsel vm0, $0x1, v2;
	s19 =	sadd.s32 s19, s20  }
0x175: {  	[tilespmem:s19+$0x5280] =	vst.msk vm0, v3;
	(xrf0) =	vadd.scan.msk.s32 $0xffff, v6  }
0x176: {  	[tilespmem:s19+$0x7B00] =	vst.msk vm0, v4  }
0x177: {  	s6 =	sadd.s32 $0x4800, s16;
	s20 =	sadd.s32 $0x3000, s16;
	[tilespmem:s19+$0xA380] =	vst.msk vm0, v5  }
0x178: {  	[spmem:s8] =	stream.indirect.scatter.add.f32 [tilespmem:s6], [sflag:$0x1], $0x1, s20, s26, $0xb8;
	[tilespmem:$0xD180] =	vst v63  }
0x179: {  	s6 =	sadd.s32 $0x4000, s16;
	s16 =	sshra.s32 s18, $0x2  }
0x17a: {  	[spmem:s9] =	stream.indirect.scatter.add.f32 [tilespmem:s6], [sflag:$0x2], $0x1, s20, s26, $0xb8;
	[tilespmem:$0xD180] =	vst v63  }
0x17b: {  	v3 =	vld [tilespmem:s16+$0x2800];
	v5, _, _ =	vpop (xrf0)  }
0x17c: {  	v4 =	vld [tilespmem:s16+$0x3000];
	(v2sf) =	vpush v5, $0xF  }
0x17d: {  	v5 =	vld [tilespmem:s16+$0x3800];
	_ =	sdelay $0x2  }
.Ltmp1:
0x17e: {  	(pc) =	sbr.rel @p0 .LBB3_5-.Ltmp1, $3  }
0x17f: {  	_ =	sdelay $0x1  }
0x180: {  	v6 =	vld.idx.msk [tilespmem:v3+s10+$0x0], $0xffff  }
0x181: {  	v7 =	vld.idx.msk [tilespmem:v4+s10+$0x0], $0xffff  }
0x182: {  	_ =	sdelay $0x3  }
0x183: {  	v6 =	vmul.f32 v7, v6;
	_ =	sdelay $0x1  }
0x184: {  	v5 =	vmul.f32 v6, v5;
	_ =	sdelay $0x1  }
0x185: {  	s6 =	spop (v2sf);
	[tilespmem:s16+$0x4000] =	vst v6;
	vm0 =	vlt.f32 v5, $0.0e+00;
	vm1 =	vgt.f32 v5, $0.0e+00  }
0x186: {  	s6 =	sadd.s32 s19, s6;
	[tilespmem:s16+$0x4800] =	vst v5;
	vm0 =	vmor vm1, vm0  }
0x187: {  	[tilespmem:s6+$0x5280] =	vst.msk vm0, v3;
	v3 =	vsel vm0, $0x1, v2  }
0x188: {  	[tilespmem:s6+$0x7B00] =	vst.msk vm0, v4;
	(xrf0) =	vadd.scan.msk.s32 $0xffff, v3  }
0x189: {  	[tilespmem:s6+$0xA380] =	vst.msk vm0, v5  }
0x18a: {  	v3 =	vld [tilespmem:s16+$0x2810]  }
0x18b: {  	v4 =	vld [tilespmem:s16+$0x3010];
	_ =	sdelay $0x2  }
0x18c: {  	v42, _, _ =	vpop (xrf0)  }
0x18d: {  	(v2sf) =	vpush v42, $0xF;
	_ =	sdelay $0x2  }
0x18e: {  	v43 =	vld.idx.msk [tilespmem:v3+s10+$0x0], $0xffff  }
0x18f: {  	v6 =	vld.idx.msk [tilespmem:v4+s10+$0x0], $0xffff;
	_ =	sdelay $0x1  }
0x190: {  	v44 =	vld [tilespmem:s16+$0x3810];
	_ =	sdelay $0x2  }
0x191: {  	v5 =	vmul.f32 v6, v43;
	_ =	sdelay $0x1  }
0x192: {  	v6 =	vmul.f32 v5, v44;
	_ =	sdelay $0x1  }
0x193: {  	vm14 =	vlt.f32 v6, $0.0e+00;
	vm15 =	vgt.f32 v6, $0.0e+00  }
0x194: {  	vm0 =	vmor vm15, vm14  }
0x195: {  	[tilespmem:s16+$0x4010] =	vst v5;
	v45 =	vsel vm0, $0x1, v2;
	s17 =	spop (v2sf)  }
0x196: {  	[tilespmem:s16+$0x4810] =	vst v6;
	(xrf0) =	vadd.scan.msk.s32 $0xffff, v45;
	s6 =	sadd.s32 s6, s17  }
0x197: {  	[tilespmem:s6+$0x5280] =	vst.msk vm0, v3  }
0x198: {  	[tilespmem:s6+$0x7B00] =	vst.msk vm0, v4  }
0x199: {  	[tilespmem:s6+$0xA380] =	vst.msk vm0, v6  }
0x19a: {  	v3 =	vld [tilespmem:s16+$0x2820]  }
0x19b: {  	v4 =	vld [tilespmem:s16+$0x3020]  }
0x19c: {  	v5, _, _ =	vpop (xrf0)  }
0x19d: {  	(v2sf) =	vpush v5, $0xF;
	_ =	sdelay $0x4  }
0x19e: {  	v46 =	vld.idx.msk [tilespmem:v3+s10+$0x0], $0xffff  }
0x19f: {  	v6 =	vld.idx.msk [tilespmem:v4+s10+$0x0], $0xffff;
	_ =	sdelay $0x1  }
0x1a0: {  	v47 =	vld [tilespmem:s16+$0x3820];
	_ =	sdelay $0x2  }
0x1a1: {  	v5 =	vmul.f32 v6, v46;
	_ =	sdelay $0x1  }
0x1a2: {  	v6 =	vmul.f32 v5, v47;
	_ =	sdelay $0x1  }
0x1a3: {  	[tilespmem:s16+$0x4020] =	vst v5;
	vm4 =	vlt.f32 v6, $0.0e+00;
	vm5 =	vgt.f32 v6, $0.0e+00;
	s19 =	spop (v2sf)  }
0x1a4: {  	[tilespmem:s16+$0x4820] =	vst v6;
	s6 =	sadd.s32 s6, s19;
	vm0 =	vmor vm5, vm4  }
0x1a5: {  	[tilespmem:s6+$0x5280] =	vst.msk vm0, v3;
	v3 =	vsel vm0, $0x1, v2  }
0x1a6: {  	[tilespmem:s6+$0x7B00] =	vst.msk vm0, v4;
	(xrf0) =	vadd.scan.msk.s32 $0xffff, v3  }
0x1a7: {  	[tilespmem:s6+$0xA380] =	vst.msk vm0, v6  }
0x1a8: {  	v3 =	vld [tilespmem:s16+$0x2830]  }
0x1a9: {  	v4 =	vld [tilespmem:s16+$0x3030];
	_ =	sdelay $0x2  }
0x1aa: {  	v48, _, _ =	vpop (xrf0)  }
0x1ab: {  	(v2sf) =	vpush v48, $0xF;
	_ =	sdelay $0x2  }
0x1ac: {  	v49 =	vld.idx.msk [tilespmem:v3+s10+$0x0], $0xffff  }
0x1ad: {  	v6 =	vld.idx.msk [tilespmem:v4+s10+$0x0], $0xffff;
	_ =	sdelay $0x1  }
0x1ae: {  	v50 =	vld [tilespmem:s16+$0x3830];
	_ =	sdelay $0x2  }
0x1af: {  	v5 =	vmul.f32 v6, v49;
	_ =	sdelay $0x1  }
0x1b0: {  	v6 =	vmul.f32 v5, v50;
	_ =	sdelay $0x1  }
0x1b1: {  	vm6 =	vlt.f32 v6, $0.0e+00;
	vm7 =	vgt.f32 v6, $0.0e+00  }
0x1b2: {  	vm0 =	vmor vm7, vm6  }
0x1b3: {  	[tilespmem:s16+$0x4030] =	vst v5;
	v51 =	vsel vm0, $0x1, v2;
	s20 =	spop (v2sf)  }
0x1b4: {  	[tilespmem:s16+$0x4830] =	vst v6;
	(xrf0) =	vadd.scan.msk.s32 $0xffff, v51;
	s6 =	sadd.s32 s6, s20  }
0x1b5: {  	[tilespmem:s6+$0x5280] =	vst.msk vm0, v3  }
0x1b6: {  	[tilespmem:s6+$0x7B00] =	vst.msk vm0, v4  }
0x1b7: {  	[tilespmem:s6+$0xA380] =	vst.msk vm0, v6  }
0x1b8: {  	v3 =	vld [tilespmem:s16+$0x2840]  }
0x1b9: {  	v4 =	vld [tilespmem:s16+$0x3040]  }
0x1ba: {  	v52, _, _ =	vpop (xrf0)  }
0x1bb: {  	(v2sf) =	vpush v52, $0xF;
	_ =	sdelay $0x4  }
0x1bc: {  	v53 =	vld.idx.msk [tilespmem:v3+s10+$0x0], $0xffff  }
0x1bd: {  	v6 =	vld.idx.msk [tilespmem:v4+s10+$0x0], $0xffff;
	_ =	sdelay $0x1  }
0x1be: {  	v54 =	vld [tilespmem:s16+$0x3840];
	_ =	sdelay $0x2  }
0x1bf: {  	v5 =	vmul.f32 v6, v53;
	_ =	sdelay $0x1  }
0x1c0: {  	v6 =	vmul.f32 v5, v54;
	_ =	sdelay $0x1  }
0x1c1: {  	[tilespmem:s16+$0x4040] =	vst v5;
	vm8 =	vlt.f32 v6, $0.0e+00;
	vm9 =	vgt.f32 v6, $0.0e+00;
	s18 =	spop (v2sf)  }
0x1c2: {  	[tilespmem:s16+$0x4840] =	vst v6;
	s6 =	sadd.s32 s6, s18;
	vm0 =	vmor vm9, vm8  }
0x1c3: {  	[tilespmem:s6+$0x5280] =	vst.msk vm0, v3;
	v3 =	vsel vm0, $0x1, v2  }
0x1c4: {  	[tilespmem:s6+$0x7B00] =	vst.msk vm0, v4;
	(xrf0) =	vadd.scan.msk.s32 $0xffff, v3  }
0x1c5: {  	[tilespmem:s6+$0xA380] =	vst.msk vm0, v6  }
0x1c6: {  	v3 =	vld [tilespmem:s16+$0x2850]  }
0x1c7: {  	v4 =	vld [tilespmem:s16+$0x3050];
	_ =	sdelay $0x2  }
0x1c8: {  	v55, _, _ =	vpop (xrf0)  }
0x1c9: {  	(v2sf) =	vpush v55, $0xF;
	_ =	sdelay $0x2  }
0x1ca: {  	v56 =	vld.idx.msk [tilespmem:v3+s10+$0x0], $0xffff  }
0x1cb: {  	v6 =	vld.idx.msk [tilespmem:v4+s10+$0x0], $0xffff;
	_ =	sdelay $0x1  }
0x1cc: {  	v57 =	vld [tilespmem:s16+$0x3850];
	_ =	sdelay $0x2  }
0x1cd: {  	v5 =	vmul.f32 v6, v56;
	_ =	sdelay $0x1  }
0x1ce: {  	v6 =	vmul.f32 v5, v57;
	_ =	sdelay $0x1  }
0x1cf: {  	vm10 =	vlt.f32 v6, $0.0e+00;
	vm11 =	vgt.f32 v6, $0.0e+00  }
0x1d0: {  	vm0 =	vmor vm11, vm10  }
0x1d1: {  	[tilespmem:s16+$0x4050] =	vst v5;
	v58 =	vsel vm0, $0x1, v2;
	s19 =	spop (v2sf)  }
0x1d2: {  	[tilespmem:s16+$0x4850] =	vst v6;
	(xrf0) =	vadd.scan.msk.s32 $0xffff, v58;
	s6 =	sadd.s32 s6, s19  }
0x1d3: {  	[tilespmem:s6+$0x5280] =	vst.msk vm0, v3  }
0x1d4: {  	[tilespmem:s6+$0x7B00] =	vst.msk vm0, v4  }
0x1d5: {  	[tilespmem:s6+$0xA380] =	vst.msk vm0, v6  }
0x1d6: {  	v3 =	vld [tilespmem:s16+$0x2860]  }
0x1d7: {  	v4 =	vld [tilespmem:s16+$0x3060]  }
0x1d8: {  	v5, _, _ =	vpop (xrf0)  }
0x1d9: {  	(v2sf) =	vpush v5, $0xF;
	_ =	sdelay $0x4  }
0x1da: {  	v59 =	vld.idx.msk [tilespmem:v3+s10+$0x0], $0xffff  }
0x1db: {  	v6 =	vld.idx.msk [tilespmem:v4+s10+$0x0], $0xffff;
	_ =	sdelay $0x1  }
0x1dc: {  	v60 =	vld [tilespmem:s16+$0x3860];
	_ =	sdelay $0x2  }
0x1dd: {  	v5 =	vmul.f32 v6, v59;
	_ =	sdelay $0x1  }
0x1de: {  	v6 =	vmul.f32 v5, v60;
	_ =	sdelay $0x1  }
0x1df: {  	[tilespmem:s16+$0x4060] =	vst v5;
	vm12 =	vlt.f32 v6, $0.0e+00;
	vm13 =	vgt.f32 v6, $0.0e+00;
	s20 =	spop (v2sf)  }
0x1e0: {  	[tilespmem:s16+$0x4860] =	vst v6;
	s6 =	sadd.s32 s6, s20;
	vm0 =	vmor vm13, vm12  }
0x1e1: {  	[tilespmem:s6+$0x5280] =	vst.msk vm0, v3  }
0x1e2: {  	[tilespmem:s6+$0x7B00] =	vst.msk vm0, v4  }
0x1e3: {  	[tilespmem:s6+$0xA380] =	vst.msk vm0, v6  }
0x1e4: {  	v3 =	vld [tilespmem:s16+$0x2870]  }
0x1e5: {  	v4 =	vld [tilespmem:s16+$0x3070];
	_ =	sdelay $0x6  }
0x1e6: {  	v5 =	vld.idx.msk [tilespmem:v3+s10+$0x0], $0xffff  }
0x1e7: {  	v6 =	vld.idx.msk [tilespmem:v4+s10+$0x0], $0xffff  }
0x1e8: {  	v8 =	vsel vm0, $0x1, v2  }
0x1e9: {  	(xrf0) =	vadd.scan.msk.s32 $0xffff, v8;
	v61 =	vld [tilespmem:s16+$0x3870];
	_ =	sdelay $0x2  }
0x1ea: {  	v5 =	vmul.f32 v6, v5;
	_ =	sdelay $0x1  }
0x1eb: {  	v6 =	vmul.f32 v5, v61  }
0x1ec: {  	v62, _, _ =	vpop (xrf0)  }
0x1ed: {  	(v2sf) =	vpush v62, $0xF;
	vm14 =	vlt.f32 v6, $0.0e+00;
	vm15 =	vgt.f32 v6, $0.0e+00  }
0x1ee: {  	vm0 =	vmor vm15, vm14  }
0x1ef: {  	v63 =	vsel vm0, $0x1, v2  }
0x1f0: {  	(xrf0) =	vadd.scan.msk.s32 $0xffff, v63;
	_ =	sdelay $0x5  }
0x1f1: {  	v7, _, _ =	vpop (xrf0)  }
0x1f2: {  	(v2sf) =	vpush v7, $0xF;
	_ =	sdelay $0x4  }
0x1f3: {  	[tilespmem:s16+$0x4070] =	vst v5;
	s18 =	spop (v2sf)  }
0x1f4: {  	[tilespmem:s16+$0x4870] =	vst v6;
	s6 =	sadd.s32 s6, s18  }
0x1f5: {  	[tilespmem:s6+$0x5280] =	vst.msk vm0, v3  }
0x1f6: {  	[tilespmem:s6+$0x7B00] =	vst.msk vm0, v4  }
0x1f7: {  	s19 =	sadd.s32 $0x3000, s16;
	s18 =	sadd.s32 $0x4800, s16;
	[tilespmem:s6+$0xA380] =	vst.msk vm0, v6  }
0x1f8: {  	[spmem:s8] =	stream.indirect.scatter.add.f32 [tilespmem:s18], [sflag:$0x1], $0x1, s19, s26, $0xb8;
	[tilespmem:$0xD180] =	vst v63  }
0x1f9: {  	s20 =	sadd.s32 $0x4000, s16  }
0x1fa: {  	[spmem:s9] =	stream.indirect.scatter.add.f32 [tilespmem:s20], [sflag:$0x2], $0x1, s19, s26, $0xb8;
	[tilespmem:$0xD180] =	vst v63  }
0x1fb: {  	s19 =	sadd.s32 s4, s15  }
0x1fc: {  	[hbm4b:s19+s10] =	stream.linear.scatter [tilespmem:s28], [sflag:$0x3], $0x800, $0x38;
	[tilespmem:$0xD180] =	vst v63  }
0x1fd: {  	s18 =	spop (v2sf)  }
0x1fe: {  	_ =	swait.ge [sflag:s21], $0x800  }
0x1ff: {  	[sflag:s21] =	ssyncset.done $0x0  }
0x200: {  	s20 =	sadd.s32 s5, s15;
	[sflag:s21] =	ssyncadd.s32 $0xFFFFF800  }
0x201: {  	[hbm4b:s20+s10] =	stream.linear.scatter [tilespmem:s29], [sflag:$0x3], $0x800, $0x38;
	[tilespmem:$0xD180] =	vst v63  }
0x202: {  	_ =	swait.ge [sflag:s21], $0x800  }
0x203: {  	[sflag:s21] =	ssyncset.done $0x0  }
0x204: {  	s22 =	sadd.s32 $0x1, s22;
	[sflag:s21] =	ssyncadd.s32 $0xFFFFF800  }
0x205: {  	p0 =	sne.s32 s22, $0x5;
	_ =	swait.ge [sflag:s30], $0x800  }
.Ltmp2:
0x206: {  	[sflag:s30] =	ssyncset.done $0x0;
	(pc) =	sbr.rel @p0 .LBB3_4-.Ltmp2, $4  }
0x207: {  	[sflag:s30] =	ssyncadd.s32 $0xFFFFF800  }
0x208: {  	_ =	swait.ge [sflag:s31], $0x800  }
0x209: {  	[sflag:s31] =	ssyncset.done $0x0  }
0x20a: {  	s17 =	sadd.s32 s6, s18;
	[sflag:s31] =	ssyncadd.s32 $0xFFFFF800  }
0x20b: {  	s6 =	sadd.s32 $0x3F, s17  }
0x20c: {  	s14 =	sand.u32 $0x3F, s6  }
0x20d: {  	s15 =	sshra.s32 s6, $0x1F;
	p1 =	slt.s32 s6, $0x1;
	p0 =	sne.s32 s14, $0x0  }
0x20e: {  	s14 =	sshrl.u32 s15, $0x1A;
	p0 =	por !p1, !p0  }
0x20f: {  	s6 =	sadd.s32 s14, s6;
	s14 =	simm.s32 $0x1;
	p0 =	por !p0, !p0  }
0x210: {  	s6 =	sshrl.u32 s6, $0x6;
	s14 =	simm.s32 @!p0 $0x0  }
0x211: {  	s6 =	ssub.s32 s6, s14  }
0x212: {  	s6 =	sshll.u32 s6, $0x6  }
0x213: {  	v3 =	vmov s6  }
0x214: {  	s16 =	rddreg [dreg:$0xf];
	s17 =	simm.s32 $0x5280;
	[tilespmem:$0xCC00] =	vst v3  }
0x215: {  	[hbm4b:s16+s10] =	stream.linear.scatter [tilespmem:s17], [sflag:$0x3], $0x2800, $0x38;
	[tilespmem:$0xD180] =	vst v63  }
0x216: {  	_ =	swait.ge [sflag:s21], $0x2800  }
0x217: {  	[sflag:s21] =	ssyncset.done $0x0  }
0x218: {  	s19 =	simm.s32 $0x7B00;
	s18 =	rddreg [dreg:$0x10];
	[sflag:s21] =	ssyncadd.s32 $0xFFFFD800  }
0x219: {  	[hbm4b:s18+s10] =	stream.linear.scatter [tilespmem:s19], [sflag:$0x3], $0x2800, $0x38;
	[tilespmem:$0xD180] =	vst v63  }
0x21a: {  	_ =	swait.ge [sflag:s21], $0x2800  }
0x21b: {  	[sflag:s21] =	ssyncset.done $0x0  }
0x21c: {  	s22 =	simm.s32 $0xA380;
	s20 =	rddreg [dreg:$0x11];
	[sflag:s21] =	ssyncadd.s32 $0xFFFFD800  }
0x21d: {  	[hbm4b:s20+s10] =	stream.linear.scatter [tilespmem:s22], [sflag:$0x3], $0x2800, $0x38;
	[tilespmem:$0xD180] =	vst v63  }
0x21e: {  	_ =	swait.ge [sflag:s21], $0x2800  }
0x21f: {  	[sflag:s21] =	ssyncset.done $0x0  }
0x220: {  	s16 =	simm.s32 $0xCC00;
	s15 =	rddreg [dreg:$0x12];
	[sflag:s21] =	ssyncadd.s32 $0xFFFFD800  }
0x221: {  	[hbm4b:s15+s10] =	stream.linear.scatter [tilespmem:s16], [sflag:$0x3], $0x80, $0x38;
	[tilespmem:$0xD180] =	vst v63  }
0x222: {  	_ =	swait.ge [sflag:s21], $0x80  }
0x223: {  	s17 =	stileid.u32;
	[sflag:s21] =	ssyncset.done $0x0  }
0x224: {  	s6 =	sshll.u32 s17, $0x6;
	[sflag:s21] =	ssyncadd.s32 $0xFFFFFF80  }
0x225: {  	s6 =	sor.u32 $0x1C03, s6;
	[bflag:$0x0] =	sbarrier.arrive $0xFFFF  }
0x226: {  	s18 =	sshrl.u32 s11, $0x3;
	s16 =	simm.s32 $0x20;
	s15 =	rddreg [dreg:$0x13]  }
0x227: {  	[hbm:s15@s16], [sflag:s6] =	dma.strided [spmem:s18@s3], $0x50, s30, $0x10   }
0x228: {  	_ =	swait.ge [sflag:s21], $0x50  }
0x229: {  	[sflag:s21] =	ssyncset.done $0x0  }
0x22a: {  	s19 =	sshrl.u32 s12, $0x3;
	s20 =	rddreg [dreg:$0x14];
	[sflag:s21] =	ssyncadd.s32 $0xFFFFFFB0  }
0x22b: {  	[hbm:s20@s16], [sflag:s6] =	dma.strided [spmem:s19@s3], $0x50, s30, $0x10   }
0x22c: {  	_ =	swait.ge [sflag:s21], $0x50  }
0x22d: {  	s7 =	sadd.s32 $0x1, s7;
	s22 =	rddreg [dreg:$0x15]  }
0x22e: {  	p0 =	sne.s32 s7, s22  }
.Ltmp3:
0x22f: {  	_ = 	snop;
	(pc) =	sbr.rel @p0 .LBB3_1-.Ltmp3, $3  }
0x230: {  	_ =	sdelay $0x1  }
0x231: {  	[sflag:s21] =	ssyncset.done $0x0  }
0x232: {  	[sflag:s21] =	ssyncadd.s32 $0xFFFFFFB0  }
0x233: {  	_ =	sfence.sel $0x180000  }
0x234: {  	[bflag:$0x0] =	sbarrier.arrive $0xFFFF  }
0x235: {  	_ =	strace $0x90000047  }
0x236: {  	s0 =	stileid.u32;
	[bflag:$0x2] =	sbarrier.arrive $0xFFFF  }
0x237: {  	p0 =	sne.s32 s0, $0x0;
	s0 =	rddreg [dreg:$0xe]  }
0x238: {  	s0 =	sadd.s32 @!p0 $0x100000, s0  }
0x239: {  	[sflag:s0] =	ssyncadd.tile.s32 @!p0 $0x1;
	_ =	shalt  }
.Lfunc_end3:
_tile_overlayer_lowered:
.L_overlay_start_3:
0x23a: {  	(tag) =	ssettag $0x3  }
0x23b: {  	s0 =	rddreg [dreg:$0x0];
	s2 =	stileid.u32  }
0x23c: {  	s1 =	rddreg [dreg:$0x1];
	p0 =	sne.s32 s2, $0x0  }
0x23d: {  	s3 =	rddreg [dreg:$0x2];
	[bflag:$0x3] =	sbarrier.arrive $0xFFFF;
	s2 =	simm.s32 @!p0 $0x1C03  }
0x23e: {  	[timem:s3], [sflag:s2] =	dma.local @!p0 [hbm:s0], s1  }
0x23f: {  	s0 =	simm.s32 @!p0 $0x3  }
0x240: {  	_ =	swait.ge @!p0 [sflag:s0], s1  }
0x241: {  	s1 =	ssub.s32 @!p0 $0x0, s1;
	[sflag:s0] =	ssyncset.done @!p0 $0x0  }
0x242: {  	[sflag:s0] =	ssyncadd.s32 @!p0 s1  }
0x243: {  	[bflag:$0x3] =	sbarrier.arrive $0xFFFF  }
0x244: {  	_ =	shalt  }

</sc_bundles>
